<compile_context>
chip_gen: v7x
topology: tpu7x:2x2x1
jax: 0.10.2.dev20260603
libtpu: 0.0.44.dev20260713+nightly
codegen_flags: <defaults>
</compile_context>

<pallas_src>
import jax
import jax.numpy as jnp
from jax import lax
from jax.experimental import pallas as pl
from jax.experimental.pallas import tpu as pltpu
from jax.experimental.pallas import tpu_sc as plsc

_NUM_SLOTS = 8
_DM = 768
_DFF = 1536
_NC = 2
_NS = 16
_NW = _NC * _NS
_PARTS = _NW // _NUM_SLOTS

_ROWS13 = 2 * _DFF
_TROWS2 = _DM // _PARTS
_CH2 = 16
_N2 = _TROWS2 // _CH2


def _ring_copy(src, dst, base, ch, nch, b0, b1, si0, si1, so0, so1):

    def start_in(j, buf, sem):
        pltpu.async_copy(src.at[pl.ds(base + j * ch, ch), :], buf, sem)

    def start_out(j, buf, sem):
        pltpu.async_copy(buf, dst.at[pl.ds(base + j * ch, ch), :], sem)

    def win(buf, sem):
        pltpu.make_async_copy(src.at[pl.ds(base, ch), :], buf, sem).wait()

    def wout(buf, sem):
        pltpu.make_async_copy(buf, dst.at[pl.ds(base, ch), :], sem).wait()

    K = nch // 2
    start_in(0, b0, si0)

    def body(k, carry):
        j = 2 * k

        @pl.when(k > 0)
        def _():
            wout(b1, so1)
        start_in(j + 1, b1, si1)
        win(b0, si0)
        start_out(j, b0, so0)

        @pl.when(k < K - 1)
        def _():
            wout(b0, so0)
            start_in(j + 2, b0, si0)
        win(b1, si1)
        start_out(j + 1, b1, so1)
        return carry

    lax.fori_loop(0, K, body, 0)
    wout(b0, so0)
    wout(b1, so1)


def _sc_body(w2, b13, b2, eids, sids,
             o2, ob13, ob2,
             ids_v, c0, c1, bv,
             si0, si1, so0, so1):
    wid = lax.axis_index("s") * _NC + lax.axis_index("c")

    pltpu.sync_copy(eids, ids_v.at[pl.ds(0, 8)])
    pltpu.sync_copy(sids, ids_v.at[pl.ds(8, 8)])

    def pick(k):
        return ids_v[pl.ds(k, 16)][0]

    slot = wid // _PARTS
    part = wid % _PARTS
    eid = pick(slot)
    dst = pick(8 + slot)

    @pl.when(wid < _NUM_SLOTS)
    def _():
        beid = pick(wid)
        bdst = pick(8 + wid)
        pltpu.sync_copy(b13.at[beid], bv)
        pltpu.sync_copy(bv, ob13.at[bdst])
        pltpu.sync_copy(b2.at[beid], bv.at[pl.ds(0, _DM)])
        pltpu.sync_copy(bv.at[pl.ds(0, _DM)], ob2.at[bdst])

    _ring_copy(w2.at[eid], o2.at[dst], part * _TROWS2, _CH2, _N2,
               c0, c1, si0, si1, so0, so1)


_sc_fetch = pl.kernel(
    _sc_body,
    out_type=(
        jax.ShapeDtypeStruct((_NUM_SLOTS, _DM, _DFF), jnp.float32),
        jax.ShapeDtypeStruct((_NUM_SLOTS, _ROWS13), jnp.float32),
        jax.ShapeDtypeStruct((_NUM_SLOTS, _DM), jnp.float32),
    ),
    mesh=plsc.VectorSubcoreMesh(
        core_axis_name="c", subcore_axis_name="s",
        num_cores=_NC, num_subcores=_NS),
    scratch_types=[
        pltpu.VMEM((32,), jnp.int32),
        pltpu.VMEM((_CH2, _DFF), jnp.float32),
        pltpu.VMEM((_CH2, _DFF), jnp.float32),
        pltpu.VMEM((_ROWS13,), jnp.float32),
        pltpu.SemaphoreType.DMA,
        pltpu.SemaphoreType.DMA,
        pltpu.SemaphoreType.DMA,
        pltpu.SemaphoreType.DMA,
    ],
)

_TC_NB = 6
_TC_SPLIT = 4
_TC_PR = _ROWS13 // _TC_SPLIT
_TC_NITEMS = _NUM_SLOTS * _TC_SPLIT


def _tc_body(eids_ref, sids_ref, in_hbm, out_hbm, *rest):
    bufs = rest[:_TC_NB]
    isems = rest[_TC_NB:2 * _TC_NB]
    osems = rest[2 * _TC_NB:3 * _TC_NB]

    def src(t):
        i, h = divmod(t, _TC_SPLIT)
        return in_hbm.at[eids_ref[i], pl.ds(h * _TC_PR, _TC_PR), :]

    def dstref(t):
        i, h = divmod(t, _TC_SPLIT)
        return out_hbm.at[sids_ref[i], pl.ds(h * _TC_PR, _TC_PR), :]

    for t in range(_TC_NITEMS + 2):
        if t < _TC_NITEMS:
            b = t % _TC_NB
            if t >= _TC_NB:
                pltpu.make_async_copy(bufs[b], dstref(t - _TC_NB),
                                      osems[b]).wait()
            pltpu.async_copy(src(t), bufs[b], isems[b])
        if 2 <= t < _TC_NITEMS + 2:
            tb = (t - 2) % _TC_NB
            pltpu.make_async_copy(src(t - 2), bufs[tb], isems[tb]).wait()
            pltpu.async_copy(bufs[tb], dstref(t - 2), osems[tb])
    for t in range(_TC_NITEMS - _TC_NB, _TC_NITEMS):
        b = t % _TC_NB
        pltpu.make_async_copy(bufs[b], dstref(t), osems[b]).wait()


def _tc_fetch(w13, eids, sids):
    return pl.pallas_call(
        _tc_body,
        grid_spec=pltpu.PrefetchScalarGridSpec(
            num_scalar_prefetch=2,
            grid=(),
            in_specs=[pl.BlockSpec(memory_space=pltpu.MemorySpace.HBM)],
            out_specs=pl.BlockSpec(memory_space=pltpu.MemorySpace.HBM),
            scratch_shapes=(
                [pltpu.VMEM((_TC_PR, _DM), jnp.float32)] * _TC_NB
                + [pltpu.SemaphoreType.DMA] * (2 * _TC_NB)),
        ),
        out_shape=jax.ShapeDtypeStruct((_NUM_SLOTS, _ROWS13, _DM),
                                       jnp.float32),
    )(eids, sids, w13)


@jax.jit
def _fetch(w13, b13, w2, b2, eids, sids):
    o2, ob13, ob2 = _sc_fetch(w2, b13, b2, eids, sids)
    o13 = _tc_fetch(w13, eids, sids)
    return o13, ob13, o2, ob2


def kernel(w13_weight, w13_bias, w2_weight, w2_bias, expert_ids, slot_ids):
    expert_ids = expert_ids.reshape(-1).astype(jnp.int32)
    slot_ids = slot_ids.reshape(-1).astype(jnp.int32)
    o13, ob13, o2, ob2 = _fetch(w13_weight, w13_bias, w2_weight, w2_bias,
                                expert_ids, slot_ids)
    return (o13, ob13, o2, ob2)

# --- scband reference (transcript-rebuilt; emitter-appended) ---
"""Pipeline reference for scband-expert-cache-24833500906108 (READ-ONLY COPY).

The authoritative reference and input builder live on the scoring server;
editing this copy changes nothing except your own understanding.
"""

import jax, jax.numpy as jnp
import numpy as np

NUM_CACHE_SLOTS = 8
NUM_TOTAL_EXPERTS = 16
D_MODEL = 768
D_FF = 1536


def setup_inputs(seed: int = 0) -> dict:
    key = jax.random.key(seed)
    k1, k2, k3, k4, k5 = jax.random.split(key, 5)
    w13_weight = jax.random.normal(k1, (NUM_TOTAL_EXPERTS, 2 * D_FF, D_MODEL), dtype=jnp.float32) * 0.02
    w13_bias = jax.random.normal(k2, (NUM_TOTAL_EXPERTS, 2 * D_FF), dtype=jnp.float32) * 0.02
    w2_weight = jax.random.normal(k3, (NUM_TOTAL_EXPERTS, D_MODEL, D_FF), dtype=jnp.float32) * 0.02
    w2_bias = jax.random.normal(k4, (NUM_TOTAL_EXPERTS, D_MODEL), dtype=jnp.float32) * 0.02
    expert_ids = jax.random.randint(k5, (NUM_CACHE_SLOTS,), 0, NUM_TOTAL_EXPERTS, dtype=jnp.int32)
    slot_ids = jnp.arange(NUM_CACHE_SLOTS, dtype=jnp.int32)
    return {
        'w13_weight': w13_weight,
        'w13_bias': w13_bias,
        'w2_weight': w2_weight,
        'w2_bias': w2_bias,
        'expert_ids': expert_ids,
        'slot_ids': slot_ids,
    }


def reference(w13_weight, w13_bias, w2_weight, w2_bias, expert_ids, slot_ids):
    # Faithful translation of ExpertBuffer.fetch_on_demand on an ExpertCache with
    # UnquantizedFusedMoEMethod parameter layout (w13_weight, w2_weight + biases).
    # For each cached parameter: gather the requested expert rows from the full
    # expert table and scatter-overwrite them into the cache buffer at slot_ids.
    expert_ids = expert_ids.reshape(-1)
    slot_ids = slot_ids.reshape(-1)

    def fetch(param):
        cache = jnp.zeros((NUM_CACHE_SLOTS,) + param.shape[1:], dtype=param.dtype)
        gathered = jnp.take(param, expert_ids, axis=0)  # gather expert rows
        return cache.at[slot_ids].set(gathered)          # scatter-overwrite into slots

    cached_w13_weight = fetch(w13_weight)
    cached_w13_bias = fetch(w13_bias)
    cached_w2_weight = fetch(w2_weight)
    cached_w2_bias = fetch(w2_bias)
    return (cached_w13_weight, cached_w13_bias, cached_w2_weight, cached_w2_bias)

if __name__ == "__main__":
    import jax
    _d = setup_inputs()
    print(jax.jit(kernel)(*tuple(_d.values())))

</pallas_src>

<mosaic_0001>
#map = affine_map<(d0, d1) -> (0, 0, 0)>
#map1 = affine_map<(d0, d1) -> (0, 0)>
#map2 = affine_map<(d0, d1) -> (0)>
module attributes {stable_mosaic.version = 14 : i64} {
  func.func @_sc_body(%arg0: i32, %arg1: i32, %arg2: memref<16x768x1536xf32, #tpu.memory_space<hbm>>, %arg3: memref<16x3072xf32, #tpu.memory_space<hbm>>, %arg4: memref<16x768xf32, #tpu.memory_space<hbm>>, %arg5: memref<8xi32, #tpu.memory_space<hbm>>, %arg6: memref<8xi32, #tpu.memory_space<hbm>>, %arg7: memref<8x768x1536xf32, #tpu.memory_space<hbm>>, %arg8: memref<8x3072xf32, #tpu.memory_space<hbm>>, %arg9: memref<8x768xf32, #tpu.memory_space<hbm>>, %arg10: memref<32xi32, #tpu.memory_space<vmem>>, %arg11: memref<16x1536xf32, #tpu.memory_space<vmem>>, %arg12: memref<16x1536xf32, #tpu.memory_space<vmem>>, %arg13: memref<3072xf32, #tpu.memory_space<vmem>>, %arg14: memref<!tpu.dma_semaphore, #tpu.memory_space<semaphore_mem>>, %arg15: memref<!tpu.dma_semaphore, #tpu.memory_space<semaphore_mem>>, %arg16: memref<!tpu.dma_semaphore, #tpu.memory_space<semaphore_mem>>, %arg17: memref<!tpu.dma_semaphore, #tpu.memory_space<semaphore_mem>>) attributes {dimension_semantics = [#tpu.dimension_semantics<core_parallel>, #tpu.dimension_semantics<subcore_parallel>], iteration_bounds = array<i64: 2, 16>, scalar_prefetch = 0 : i64, scratch_operands = 8 : i64, tpu.core_type = #tpu.core_type<sc_vector_subcore>, window_params = [{transform_indices = #map}, {transform_indices = #map1}, {transform_indices = #map1}, {transform_indices = #map2}, {transform_indices = #map2}, {transform_indices = #map}, {transform_indices = #map1}, {transform_indices = #map1}]} {
    %mul3A = arith.constant 2 : i32
    %mul3A_0 = arith.muli %arg1, %mul3A : i32
    %add3A = arith.addi %mul3A_0, %arg0 : i32
    "tpu.region"() ({
      %run_scoped3A = tpu.sem_alloc : memref<!tpu.dma_semaphore, #tpu.memory_space<semaphore_mem>>
      %dma_start3A_86 = arith.constant 0 : i32
      %dma_start3A_87 = tpu.memref_slice %arg10[%dma_start3A_86] : memref<32xi32, #tpu.memory_space<vmem>> -> memref<8xi32, #tpu.memory_space<vmem>>
      %dma_start3A_88 = arith.constant 0 : i32
      %dma_start3A_89 = tpu.memref_slice %arg10[%dma_start3A_88] : memref<32xi32, #tpu.memory_space<vmem>> -> memref<8xi32, #tpu.memory_space<vmem>>
      tpu.enqueue_dma source(%arg5 : memref<8xi32, #tpu.memory_space<hbm>>) target(%dma_start3A_89 : memref<8xi32, #tpu.memory_space<vmem>>) target_semaphore(%run_scoped3A : memref<!tpu.dma_semaphore, #tpu.memory_space<semaphore_mem>>)
      %dma_wait3A_90 = arith.constant 0 : i32
      %dma_wait3A_91 = tpu.memref_slice %arg10[%dma_wait3A_90] : memref<32xi32, #tpu.memory_space<vmem>> -> memref<8xi32, #tpu.memory_space<vmem>>
      %dma_wait3A_92 = arith.constant 0 : i32
      %dma_wait3A_93 = tpu.memref_slice %arg10[%dma_wait3A_92] : memref<32xi32, #tpu.memory_space<vmem>> -> memref<8xi32, #tpu.memory_space<vmem>>
      tpu.wait_dma2 semaphore(%run_scoped3A : memref<!tpu.dma_semaphore, #tpu.memory_space<semaphore_mem>>) src(%arg5 : memref<8xi32, #tpu.memory_space<hbm>>) dst(%dma_wait3A_93 : memref<8xi32, #tpu.memory_space<vmem>>)
      tpu.yield
    }) : () -> ()
    "tpu.region"() ({
      %run_scoped3A = tpu.sem_alloc : memref<!tpu.dma_semaphore, #tpu.memory_space<semaphore_mem>>
      %dma_start3A_86 = arith.constant 8 : i32
      %dma_start3A_87 = tpu.memref_slice %arg10[%dma_start3A_86] : memref<32xi32, #tpu.memory_space<vmem>> -> memref<8xi32, #tpu.memory_space<vmem>>
      %dma_start3A_88 = arith.constant 8 : i32
      %dma_start3A_89 = tpu.memref_slice %arg10[%dma_start3A_88] : memref<32xi32, #tpu.memory_space<vmem>> -> memref<8xi32, #tpu.memory_space<vmem>>
      tpu.enqueue_dma source(%arg6 : memref<8xi32, #tpu.memory_space<hbm>>) target(%dma_start3A_89 : memref<8xi32, #tpu.memory_space<vmem>>) target_semaphore(%run_scoped3A : memref<!tpu.dma_semaphore, #tpu.memory_space<semaphore_mem>>)
      %dma_wait3A_90 = arith.constant 8 : i32
      %dma_wait3A_91 = tpu.memref_slice %arg10[%dma_wait3A_90] : memref<32xi32, #tpu.memory_space<vmem>> -> memref<8xi32, #tpu.memory_space<vmem>>
      %dma_wait3A_92 = arith.constant 8 : i32
      %dma_wait3A_93 = tpu.memref_slice %arg10[%dma_wait3A_92] : memref<32xi32, #tpu.memory_space<vmem>> -> memref<8xi32, #tpu.memory_space<vmem>>
      tpu.wait_dma2 semaphore(%run_scoped3A : memref<!tpu.dma_semaphore, #tpu.memory_space<semaphore_mem>>) src(%arg6 : memref<8xi32, #tpu.memory_space<hbm>>) dst(%dma_wait3A_93 : memref<8xi32, #tpu.memory_space<vmem>>)
      tpu.yield
    }) : () -> ()
    %jit3A = arith.constant 4 : i32
    %div3A = arith.divsi %add3A, %jit3A : i32
    %sign3A = arith.constant 0 : i32
    %sign3A_1 = arith.cmpi sgt, %add3A, %sign3A : i32
    %sign3A_2 = arith.extui %sign3A_1 : i1 to i32
    %sign3A_3 = arith.constant 0 : i32
    %sign3A_4 = arith.cmpi slt, %add3A, %sign3A_3 : i32
    %sign3A_5 = arith.extui %sign3A_4 : i1 to i32
    %sign3A_6 = arith.subi %sign3A_2, %sign3A_5 : i32
    %sign3A_7 = arith.constant 0 : i32
    %sign3A_8 = arith.cmpi sgt, %jit3A, %sign3A_7 : i32
    %sign3A_9 = arith.extui %sign3A_8 : i1 to i32
    %sign3A_10 = arith.constant 0 : i32
    %sign3A_11 = arith.cmpi slt, %jit3A, %sign3A_10 : i32
    %sign3A_12 = arith.extui %sign3A_11 : i1 to i32
    %sign3A_13 = arith.subi %sign3A_9, %sign3A_12 : i32
    %ne3A = arith.cmpi ne, %sign3A_6, %sign3A_13 : i32
    %rem3A = arith.remsi %add3A, %jit3A : i32
    %ne3A_14 = arith.constant 0 : i32
    %ne3A_15 = arith.cmpi ne, %rem3A, %ne3A_14 : i32
    %and3A = arith.andi %ne3A, %ne3A_15 : i1
    %sub3A = arith.constant 1 : i32
    %sub3A_16 = arith.subi %div3A, %sub3A : i32
    %select_n3A = arith.select %and3A, %sub3A_16, %div3A : i32
    %jit3A_17 = arith.constant 4 : i32
    %eq3A = arith.constant 0 : i32
    %eq3A_18 = arith.cmpi eq, %jit3A_17, %eq3A : i32
    %jit3A_19 = arith.constant 1 : i32
    %select_n3A_20 = arith.select %eq3A_18, %jit3A_19, %jit3A_17 : i32
    %rem3A_21 = arith.remsi %add3A, %select_n3A_20 : i32
    %ne3A_22 = arith.constant 0 : i32
    %ne3A_23 = arith.cmpi ne, %rem3A_21, %ne3A_22 : i32
    %lt3A = arith.constant 0 : i32
    %lt3A_24 = arith.cmpi slt, %rem3A_21, %lt3A : i32
    %lt3A_25 = arith.constant 0 : i32
    %lt3A_26 = arith.cmpi slt, %select_n3A_20, %lt3A_25 : i32
    %ne3A_27 = arith.xori %lt3A_24, %lt3A_26 : i1
    %and3A_28 = arith.andi %ne3A_27, %ne3A_23 : i1
    %add3A_29 = arith.addi %rem3A_21, %select_n3A_20 : i32
    %select_n3A_30 = arith.select %and3A_28, %add3A_29, %rem3A_21 : i32
    %get3A = arith.index_cast %select_n3A : i32 to index
    %get3A_31 = tpu.vector_load %arg10[%get3A] {strides = array<i32>} : memref<32xi32, #tpu.memory_space<vmem>>, vector<16xi32>,
    %get3A_32 = vector.shape_cast %get3A_31 : vector<16xi32> to vector<16xi32>
    %slice3A = vector.extract_strided_slice %get3A_32 {offsets = [0], sizes = [1], strides = [1]} : vector<16xi32> to vector<1xi32>
    %squeeze3A = vector.extract %slice3A[0] : i32 from vector<1xi32>
    %add3A_33 = arith.constant 8 : i32
    %add3A_34 = arith.addi %add3A_33, %select_n3A : i32
    %get3A_35 = arith.index_cast %add3A_34 : i32 to index
    %get3A_36 = tpu.vector_load %arg10[%get3A_35] {strides = array<i32>} : memref<32xi32, #tpu.memory_space<vmem>>, vector<16xi32>,
    %get3A_37 = vector.shape_cast %get3A_36 : vector<16xi32> to vector<16xi32>
    %slice3A_38 = vector.extract_strided_slice %get3A_37 {offsets = [0], sizes = [1], strides = [1]} : vector<16xi32> to vector<1xi32>
    %squeeze3A_39 = vector.extract %slice3A_38[0] : i32 from vector<1xi32>
    %lt3A_40 = arith.constant 8 : i32
    %lt3A_41 = arith.cmpi slt, %add3A, %lt3A_40 : i32
    %convert_element_type3A = arith.extui %lt3A_41 : i1 to i32
    %cond3A = arith.constant 0 : i32
    %cond3A_42 = arith.cmpi ne, %convert_element_type3A, %cond3A : i32
    scf.if %cond3A_42 {
      %get3A_86 = arith.index_cast %add3A : i32 to index
      %get3A_87 = tpu.vector_load %arg10[%get3A_86] {strides = array<i32>} : memref<32xi32, #tpu.memory_space<vmem>>, vector<16xi32>,
      %get3A_88 = vector.shape_cast %get3A_87 : vector<16xi32> to vector<16xi32>
      %slice3A_89 = vector.extract_strided_slice %get3A_88 {offsets = [0], sizes = [1], strides = [1]} : vector<16xi32> to vector<1xi32>
      %squeeze3A_90 = vector.extract %slice3A_89[0] : i32 from vector<1xi32>
      %add3A_91 = arith.constant 8 : i32
      %add3A_92 = arith.addi %add3A_91, %add3A : i32
      %get3A_93 = arith.index_cast %add3A_92 : i32 to index
      %get3A_94 = tpu.vector_load %arg10[%get3A_93] {strides = array<i32>} : memref<32xi32, #tpu.memory_space<vmem>>, vector<16xi32>,
      %get3A_95 = vector.shape_cast %get3A_94 : vector<16xi32> to vector<16xi32>
      %slice3A_96 = vector.extract_strided_slice %get3A_95 {offsets = [0], sizes = [1], strides = [1]} : vector<16xi32> to vector<1xi32>
      %squeeze3A_97 = vector.extract %slice3A_96[0] : i32 from vector<1xi32>
      "tpu.region"() ({
        %run_scoped3A = tpu.sem_alloc : memref<!tpu.dma_semaphore, #tpu.memory_space<semaphore_mem>>
        %dma_start3A_98 = arith.constant 0 : i32
        %dma_start3A_99 = tpu.memref_slice %arg3[%squeeze3A_90, %dma_start3A_98] : memref<16x3072xf32, #tpu.memory_space<hbm>> -> memref<1x3072xf32, #tpu.memory_space<hbm>>
        %dma_start3A_100 = tpu.memref_squeeze %dma_start3A_99 : memref<1x3072xf32, #tpu.memory_space<hbm>> -> memref<3072xf32, #tpu.memory_space<hbm>>
        %dma_start3A_101 = arith.constant 0 : i32
        %dma_start3A_102 = tpu.memref_slice %arg3[%squeeze3A_90, %dma_start3A_101] : memref<16x3072xf32, #tpu.memory_space<hbm>> -> memref<1x3072xf32, #tpu.memory_space<hbm>>
        %dma_start3A_103 = tpu.memref_squeeze %dma_start3A_102 : memref<1x3072xf32, #tpu.memory_space<hbm>> -> memref<3072xf32, #tpu.memory_space<hbm>>
        tpu.enqueue_dma source(%dma_start3A_103 : memref<3072xf32, #tpu.memory_space<hbm>>) target(%arg13 : memref<3072xf32, #tpu.memory_space<vmem>>) target_semaphore(%run_scoped3A : memref<!tpu.dma_semaphore, #tpu.memory_space<semaphore_mem>>)
        %dma_wait3A_104 = arith.constant 0 : i32
        %dma_wait3A_105 = tpu.memref_slice %arg3[%squeeze3A_90, %dma_wait3A_104] : memref<16x3072xf32, #tpu.memory_space<hbm>> -> memref<1x3072xf32, #tpu.memory_space<hbm>>
        %dma_wait3A_106 = tpu.memref_squeeze %dma_wait3A_105 : memref<1x3072xf32, #tpu.memory_space<hbm>> -> memref<3072xf32, #tpu.memory_space<hbm>>
        %dma_wait3A_107 = arith.constant 0 : i32
        %dma_wait3A_108 = tpu.memref_slice %arg3[%squeeze3A_90, %dma_wait3A_107] : memref<16x3072xf32, #tpu.memory_space<hbm>> -> memref<1x3072xf32, #tpu.memory_space<hbm>>
        %dma_wait3A_109 = tpu.memref_squeeze %dma_wait3A_108 : memref<1x3072xf32, #tpu.memory_space<hbm>> -> memref<3072xf32, #tpu.memory_space<hbm>>
        tpu.wait_dma2 semaphore(%run_scoped3A : memref<!tpu.dma_semaphore, #tpu.memory_space<semaphore_mem>>) src(%dma_wait3A_109 : memref<3072xf32, #tpu.memory_space<hbm>>) dst(%arg13 : memref<3072xf32, #tpu.memory_space<vmem>>)
        tpu.yield
      }) : () -> ()
      "tpu.region"() ({
        %run_scoped3A = tpu.sem_alloc : memref<!tpu.dma_semaphore, #tpu.memory_space<semaphore_mem>>
        %dma_start3A_98 = arith.constant 0 : i32
        %dma_start3A_99 = tpu.memref_slice %arg8[%squeeze3A_97, %dma_start3A_98] : memref<8x3072xf32, #tpu.memory_space<hbm>> -> memref<1x3072xf32, #tpu.memory_space<hbm>>
        %dma_start3A_100 = tpu.memref_squeeze %dma_start3A_99 : memref<1x3072xf32, #tpu.memory_space<hbm>> -> memref<3072xf32, #tpu.memory_space<hbm>>
        %dma_start3A_101 = arith.constant 0 : i32
        %dma_start3A_102 = tpu.memref_slice %arg8[%squeeze3A_97, %dma_start3A_101] : memref<8x3072xf32, #tpu.memory_space<hbm>> -> memref<1x3072xf32, #tpu.memory_space<hbm>>
        %dma_start3A_103 = tpu.memref_squeeze %dma_start3A_102 : memref<1x3072xf32, #tpu.memory_space<hbm>> -> memref<3072xf32, #tpu.memory_space<hbm>>
        tpu.enqueue_dma source(%arg13 : memref<3072xf32, #tpu.memory_space<vmem>>) target(%dma_start3A_103 : memref<3072xf32, #tpu.memory_space<hbm>>) target_semaphore(%run_scoped3A : memref<!tpu.dma_semaphore, #tpu.memory_space<semaphore_mem>>)
        %dma_wait3A_104 = arith.constant 0 : i32
        %dma_wait3A_105 = tpu.memref_slice %arg8[%squeeze3A_97, %dma_wait3A_104] : memref<8x3072xf32, #tpu.memory_space<hbm>> -> memref<1x3072xf32, #tpu.memory_space<hbm>>
        %dma_wait3A_106 = tpu.memref_squeeze %dma_wait3A_105 : memref<1x3072xf32, #tpu.memory_space<hbm>> -> memref<3072xf32, #tpu.memory_space<hbm>>
        %dma_wait3A_107 = arith.constant 0 : i32
        %dma_wait3A_108 = tpu.memref_slice %arg8[%squeeze3A_97, %dma_wait3A_107] : memref<8x3072xf32, #tpu.memory_space<hbm>> -> memref<1x3072xf32, #tpu.memory_space<hbm>>
        %dma_wait3A_109 = tpu.memref_squeeze %dma_wait3A_108 : memref<1x3072xf32, #tpu.memory_space<hbm>> -> memref<3072xf32, #tpu.memory_space<hbm>>
        tpu.wait_dma2 semaphore(%run_scoped3A : memref<!tpu.dma_semaphore, #tpu.memory_space<semaphore_mem>>) src(%arg13 : memref<3072xf32, #tpu.memory_space<vmem>>) dst(%dma_wait3A_109 : memref<3072xf32, #tpu.memory_space<hbm>>)
        tpu.yield
      }) : () -> ()
      "tpu.region"() ({
        %run_scoped3A = tpu.sem_alloc : memref<!tpu.dma_semaphore, #tpu.memory_space<semaphore_mem>>
        %dma_start3A_98 = arith.constant 0 : i32
        %dma_start3A_99 = tpu.memref_slice %arg13[%dma_start3A_98] : memref<3072xf32, #tpu.memory_space<vmem>> -> memref<768xf32, #tpu.memory_space<vmem>>
        %dma_start3A_100 = arith.constant 0 : i32
        %dma_start3A_101 = tpu.memref_slice %arg4[%squeeze3A_90, %dma_start3A_100] : memref<16x768xf32, #tpu.memory_space<hbm>> -> memref<1x768xf32, #tpu.memory_space<hbm>>
        %dma_start3A_102 = tpu.memref_squeeze %dma_start3A_101 : memref<1x768xf32, #tpu.memory_space<hbm>> -> memref<768xf32, #tpu.memory_space<hbm>>
        %dma_start3A_103 = arith.constant 0 : i32
        %dma_start3A_104 = tpu.memref_slice %arg13[%dma_start3A_103] : memref<3072xf32, #tpu.memory_space<vmem>> -> memref<768xf32, #tpu.memory_space<vmem>>
        %dma_start3A_105 = arith.constant 0 : i32
        %dma_start3A_106 = tpu.memref_slice %arg4[%squeeze3A_90, %dma_start3A_105] : memref<16x768xf32, #tpu.memory_space<hbm>> -> memref<1x768xf32, #tpu.memory_space<hbm>>
        %dma_start3A_107 = tpu.memref_squeeze %dma_start3A_106 : memref<1x768xf32, #tpu.memory_space<hbm>> -> memref<768xf32, #tpu.memory_space<hbm>>
        tpu.enqueue_dma source(%dma_start3A_107 : memref<768xf32, #tpu.memory_space<hbm>>) target(%dma_start3A_104 : memref<768xf32, #tpu.memory_space<vmem>>) target_semaphore(%run_scoped3A : memref<!tpu.dma_semaphore, #tpu.memory_space<semaphore_mem>>)
        %dma_wait3A_108 = arith.constant 0 : i32
        %dma_wait3A_109 = tpu.memref_slice %arg13[%dma_wait3A_108] : memref<3072xf32, #tpu.memory_space<vmem>> -> memref<768xf32, #tpu.memory_space<vmem>>
        %dma_wait3A_110 = arith.constant 0 : i32
        %dma_wait3A_111 = tpu.memref_slice %arg4[%squeeze3A_90, %dma_wait3A_110] : memref<16x768xf32, #tpu.memory_space<hbm>> -> memref<1x768xf32, #tpu.memory_space<hbm>>
        %dma_wait3A_112 = tpu.memref_squeeze %dma_wait3A_111 : memref<1x768xf32, #tpu.memory_space<hbm>> -> memref<768xf32, #tpu.memory_space<hbm>>
        %dma_wait3A_113 = arith.constant 0 : i32
        %dma_wait3A_114 = tpu.memref_slice %arg13[%dma_wait3A_113] : memref<3072xf32, #tpu.memory_space<vmem>> -> memref<768xf32, #tpu.memory_space<vmem>>
        %dma_wait3A_115 = arith.constant 0 : i32
        %dma_wait3A_116 = tpu.memref_slice %arg4[%squeeze3A_90, %dma_wait3A_115] : memref<16x768xf32, #tpu.memory_space<hbm>> -> memref<1x768xf32, #tpu.memory_space<hbm>>
        %dma_wait3A_117 = tpu.memref_squeeze %dma_wait3A_116 : memref<1x768xf32, #tpu.memory_space<hbm>> -> memref<768xf32, #tpu.memory_space<hbm>>
        tpu.wait_dma2 semaphore(%run_scoped3A : memref<!tpu.dma_semaphore, #tpu.memory_space<semaphore_mem>>) src(%dma_wait3A_117 : memref<768xf32, #tpu.memory_space<hbm>>) dst(%dma_wait3A_114 : memref<768xf32, #tpu.memory_space<vmem>>)
        tpu.yield
      }) : () -> ()
      "tpu.region"() ({
        %run_scoped3A = tpu.sem_alloc : memref<!tpu.dma_semaphore, #tpu.memory_space<semaphore_mem>>
        %dma_start3A_98 = arith.constant 0 : i32
        %dma_start3A_99 = tpu.memref_slice %arg13[%dma_start3A_98] : memref<3072xf32, #tpu.memory_space<vmem>> -> memref<768xf32, #tpu.memory_space<vmem>>
        %dma_start3A_100 = arith.constant 0 : i32
        %dma_start3A_101 = tpu.memref_slice %arg9[%squeeze3A_97, %dma_start3A_100] : memref<8x768xf32, #tpu.memory_space<hbm>> -> memref<1x768xf32, #tpu.memory_space<hbm>>
        %dma_start3A_102 = tpu.memref_squeeze %dma_start3A_101 : memref<1x768xf32, #tpu.memory_space<hbm>> -> memref<768xf32, #tpu.memory_space<hbm>>
        %dma_start3A_103 = arith.constant 0 : i32
        %dma_start3A_104 = tpu.memref_slice %arg9[%squeeze3A_97, %dma_start3A_103] : memref<8x768xf32, #tpu.memory_space<hbm>> -> memref<1x768xf32, #tpu.memory_space<hbm>>
        %dma_start3A_105 = tpu.memref_squeeze %dma_start3A_104 : memref<1x768xf32, #tpu.memory_space<hbm>> -> memref<768xf32, #tpu.memory_space<hbm>>
        %dma_start3A_106 = arith.constant 0 : i32
        %dma_start3A_107 = tpu.memref_slice %arg13[%dma_start3A_106] : memref<3072xf32, #tpu.memory_space<vmem>> -> memref<768xf32, #tpu.memory_space<vmem>>
        tpu.enqueue_dma source(%dma_start3A_107 : memref<768xf32, #tpu.memory_space<vmem>>) target(%dma_start3A_105 : memref<768xf32, #tpu.memory_space<hbm>>) target_semaphore(%run_scoped3A : memref<!tpu.dma_semaphore, #tpu.memory_space<semaphore_mem>>)
        %dma_wait3A_108 = arith.constant 0 : i32
        %dma_wait3A_109 = tpu.memref_slice %arg13[%dma_wait3A_108] : memref<3072xf32, #tpu.memory_space<vmem>> -> memref<768xf32, #tpu.memory_space<vmem>>
        %dma_wait3A_110 = arith.constant 0 : i32
        %dma_wait3A_111 = tpu.memref_slice %arg9[%squeeze3A_97, %dma_wait3A_110] : memref<8x768xf32, #tpu.memory_space<hbm>> -> memref<1x768xf32, #tpu.memory_space<hbm>>
        %dma_wait3A_112 = tpu.memref_squeeze %dma_wait3A_111 : memref<1x768xf32, #tpu.memory_space<hbm>> -> memref<768xf32, #tpu.memory_space<hbm>>
        %dma_wait3A_113 = arith.constant 0 : i32
        %dma_wait3A_114 = tpu.memref_slice %arg9[%squeeze3A_97, %dma_wait3A_113] : memref<8x768xf32, #tpu.memory_space<hbm>> -> memref<1x768xf32, #tpu.memory_space<hbm>>
        %dma_wait3A_115 = tpu.memref_squeeze %dma_wait3A_114 : memref<1x768xf32, #tpu.memory_space<hbm>> -> memref<768xf32, #tpu.memory_space<hbm>>
        %dma_wait3A_116 = arith.constant 0 : i32
        %dma_wait3A_117 = tpu.memref_slice %arg13[%dma_wait3A_116] : memref<3072xf32, #tpu.memory_space<vmem>> -> memref<768xf32, #tpu.memory_space<vmem>>
        tpu.wait_dma2 semaphore(%run_scoped3A : memref<!tpu.dma_semaphore, #tpu.memory_space<semaphore_mem>>) src(%dma_wait3A_117 : memref<768xf32, #tpu.memory_space<vmem>>) dst(%dma_wait3A_115 : memref<768xf32, #tpu.memory_space<hbm>>)
        tpu.yield
      }) : () -> ()
    } else {
    }
    %mul3A_43 = arith.constant 192 : i32
    %mul3A_44 = arith.muli %select_n3A_30, %mul3A_43 : i32
    %add3A_45 = arith.constant 0 : i32
    %add3A_46 = arith.addi %mul3A_44, %add3A_45 : i32
    %dma_start3A = arith.constant 0 : i32
    %dma_start3A_47 = arith.constant 0 : i32
    %dma_start3A_48 = tpu.memref_slice %arg2[%squeeze3A, %dma_start3A, %dma_start3A_47] : memref<16x768x1536xf32, #tpu.memory_space<hbm>> -> memref<1x768x1536xf32, #tpu.memory_space<hbm>>
    %dma_start3A_49 = tpu.memref_squeeze %dma_start3A_48 : memref<1x768x1536xf32, #tpu.memory_space<hbm>> -> memref<768x1536xf32, #tpu.memory_space<hbm>>
    %dma_start3A_50 = arith.constant 0 : i32
    %dma_start3A_51 = tpu.memref_slice %dma_start3A_49[%add3A_46, %dma_start3A_50] : memref<768x1536xf32, #tpu.memory_space<hbm>> -> memref<16x1536xf32, #tpu.memory_space<hbm>>
    %dma_start3A_52 = arith.constant 0 : i32
    %dma_start3A_53 = arith.constant 0 : i32
    %dma_start3A_54 = tpu.memref_slice %arg2[%squeeze3A, %dma_start3A_52, %dma_start3A_53] : memref<16x768x1536xf32, #tpu.memory_space<hbm>> -> memref<1x768x1536xf32, #tpu.memory_space<hbm>>
    %dma_start3A_55 = tpu.memref_squeeze %dma_start3A_54 : memref<1x768x1536xf32, #tpu.memory_space<hbm>> -> memref<768x1536xf32, #tpu.memory_space<hbm>>
    %dma_start3A_56 = arith.constant 0 : i32
    %dma_start3A_57 = tpu.memref_slice %dma_start3A_55[%add3A_46, %dma_start3A_56] : memref<768x1536xf32, #tpu.memory_space<hbm>> -> memref<16x1536xf32, #tpu.memory_space<hbm>>
    tpu.enqueue_dma source(%dma_start3A_57 : memref<16x1536xf32, #tpu.memory_space<hbm>>) target(%arg11 : memref<16x1536xf32, #tpu.memory_space<vmem>>) target_semaphore(%arg14 : memref<!tpu.dma_semaphore, #tpu.memory_space<semaphore_mem>>)
    %scan3A = arith.constant 0 : i32
    %scan3A_58 = arith.constant 0 : i32
    %scan3A_59 = arith.constant 6 : i32
    %scan3A_60 = arith.addi %scan3A_58, %scan3A_59 : i32
    %scan3A_61 = arith.constant 1 : i32
    scf.for %scan3A_86 = %scan3A_58 to %scan3A_60 step %scan3A_61  : i32 {
      %mul3A_87 = arith.constant 2 : i32
      %mul3A_88 = arith.muli %mul3A_87, %scan3A_86 : i32
      %gt3A = arith.constant 0 : i32
      %gt3A_89 = arith.cmpi sgt, %scan3A_86, %gt3A : i32
      %convert_element_type3A_90 = arith.extui %gt3A_89 : i1 to i32
      %cond3A_91 = arith.constant 0 : i32
      %cond3A_92 = arith.cmpi ne, %convert_element_type3A_90, %cond3A_91 : i32
      scf.if %cond3A_92 {
        %dma_wait3A_171 = arith.constant 0 : i32
        %dma_wait3A_172 = arith.constant 0 : i32
        %dma_wait3A_173 = tpu.memref_slice %arg7[%squeeze3A_39, %dma_wait3A_171, %dma_wait3A_172] : memref<8x768x1536xf32, #tpu.memory_space<hbm>> -> memref<1x768x1536xf32, #tpu.memory_space<hbm>>
        %dma_wait3A_174 = tpu.memref_squeeze %dma_wait3A_173 : memref<1x768x1536xf32, #tpu.memory_space<hbm>> -> memref<768x1536xf32, #tpu.memory_space<hbm>>
        %dma_wait3A_175 = arith.constant 0 : i32
        %dma_wait3A_176 = tpu.memref_slice %dma_wait3A_174[%mul3A_44, %dma_wait3A_175] : memref<768x1536xf32, #tpu.memory_space<hbm>> -> memref<16x1536xf32, #tpu.memory_space<hbm>>
        %dma_wait3A_177 = arith.constant 0 : i32
        %dma_wait3A_178 = arith.constant 0 : i32
        %dma_wait3A_179 = tpu.memref_slice %arg7[%squeeze3A_39, %dma_wait3A_177, %dma_wait3A_178] : memref<8x768x1536xf32, #tpu.memory_space<hbm>> -> memref<1x768x1536xf32, #tpu.memory_space<hbm>>
        %dma_wait3A_180 = tpu.memref_squeeze %dma_wait3A_179 : memref<1x768x1536xf32, #tpu.memory_space<hbm>> -> memref<768x1536xf32, #tpu.memory_space<hbm>>
        %dma_wait3A_181 = arith.constant 0 : i32
        %dma_wait3A_182 = tpu.memref_slice %dma_wait3A_180[%mul3A_44, %dma_wait3A_181] : memref<768x1536xf32, #tpu.memory_space<hbm>> -> memref<16x1536xf32, #tpu.memory_space<hbm>>
        tpu.wait_dma2 semaphore(%arg17 : memref<!tpu.dma_semaphore, #tpu.memory_space<semaphore_mem>>) src(%arg12 : memref<16x1536xf32, #tpu.memory_space<vmem>>) dst(%dma_wait3A_182 : memref<16x1536xf32, #tpu.memory_space<hbm>>)
      } else {
      }
      %add3A_93 = arith.constant 1 : i32
      %add3A_94 = arith.addi %mul3A_88, %add3A_93 : i32
      %mul3A_95 = arith.constant 16 : i32
      %mul3A_96 = arith.muli %add3A_94, %mul3A_95 : i32
      %add3A_97 = arith.addi %mul3A_44, %mul3A_96 : i32
      %dma_start3A_98 = arith.constant 0 : i32
      %dma_start3A_99 = arith.constant 0 : i32
      %dma_start3A_100 = tpu.memref_slice %arg2[%squeeze3A, %dma_start3A_98, %dma_start3A_99] : memref<16x768x1536xf32, #tpu.memory_space<hbm>> -> memref<1x768x1536xf32, #tpu.memory_space<hbm>>
      %dma_start3A_101 = tpu.memref_squeeze %dma_start3A_100 : memref<1x768x1536xf32, #tpu.memory_space<hbm>> -> memref<768x1536xf32, #tpu.memory_space<hbm>>
      %dma_start3A_102 = arith.constant 0 : i32
      %dma_start3A_103 = tpu.memref_slice %dma_start3A_101[%add3A_97, %dma_start3A_102] : memref<768x1536xf32, #tpu.memory_space<hbm>> -> memref<16x1536xf32, #tpu.memory_space<hbm>>
      %dma_start3A_104 = arith.constant 0 : i32
      %dma_start3A_105 = arith.constant 0 : i32
      %dma_start3A_106 = tpu.memref_slice %arg2[%squeeze3A, %dma_start3A_104, %dma_start3A_105] : memref<16x768x1536xf32, #tpu.memory_space<hbm>> -> memref<1x768x1536xf32, #tpu.memory_space<hbm>>
      %dma_start3A_107 = tpu.memref_squeeze %dma_start3A_106 : memref<1x768x1536xf32, #tpu.memory_space<hbm>> -> memref<768x1536xf32, #tpu.memory_space<hbm>>
      %dma_start3A_108 = arith.constant 0 : i32
      %dma_start3A_109 = tpu.memref_slice %dma_start3A_107[%add3A_97, %dma_start3A_108] : memref<768x1536xf32, #tpu.memory_space<hbm>> -> memref<16x1536xf32, #tpu.memory_space<hbm>>
      tpu.enqueue_dma source(%dma_start3A_109 : memref<16x1536xf32, #tpu.memory_space<hbm>>) target(%arg12 : memref<16x1536xf32, #tpu.memory_space<vmem>>) target_semaphore(%arg15 : memref<!tpu.dma_semaphore, #tpu.memory_space<semaphore_mem>>)
      %dma_wait3A_110 = arith.constant 0 : i32
      %dma_wait3A_111 = arith.constant 0 : i32
      %dma_wait3A_112 = tpu.memref_slice %arg2[%squeeze3A, %dma_wait3A_110, %dma_wait3A_111] : memref<16x768x1536xf32, #tpu.memory_space<hbm>> -> memref<1x768x1536xf32, #tpu.memory_space<hbm>>
      %dma_wait3A_113 = tpu.memref_squeeze %dma_wait3A_112 : memref<1x768x1536xf32, #tpu.memory_space<hbm>> -> memref<768x1536xf32, #tpu.memory_space<hbm>>
      %dma_wait3A_114 = arith.constant 0 : i32
      %dma_wait3A_115 = tpu.memref_slice %dma_wait3A_113[%mul3A_44, %dma_wait3A_114] : memref<768x1536xf32, #tpu.memory_space<hbm>> -> memref<16x1536xf32, #tpu.memory_space<hbm>>
      %dma_wait3A_116 = arith.constant 0 : i32
      %dma_wait3A_117 = arith.constant 0 : i32
      %dma_wait3A_118 = tpu.memref_slice %arg2[%squeeze3A, %dma_wait3A_116, %dma_wait3A_117] : memref<16x768x1536xf32, #tpu.memory_space<hbm>> -> memref<1x768x1536xf32, #tpu.memory_space<hbm>>
      %dma_wait3A_119 = tpu.memref_squeeze %dma_wait3A_118 : memref<1x768x1536xf32, #tpu.memory_space<hbm>> -> memref<768x1536xf32, #tpu.memory_space<hbm>>
      %dma_wait3A_120 = arith.constant 0 : i32
      %dma_wait3A_121 = tpu.memref_slice %dma_wait3A_119[%mul3A_44, %dma_wait3A_120] : memref<768x1536xf32, #tpu.memory_space<hbm>> -> memref<16x1536xf32, #tpu.memory_space<hbm>>
      tpu.wait_dma2 semaphore(%arg14 : memref<!tpu.dma_semaphore, #tpu.memory_space<semaphore_mem>>) src(%dma_wait3A_121 : memref<16x1536xf32, #tpu.memory_space<hbm>>) dst(%arg11 : memref<16x1536xf32, #tpu.memory_space<vmem>>)
      %mul3A_122 = arith.constant 16 : i32
      %mul3A_123 = arith.muli %mul3A_88, %mul3A_122 : i32
      %add3A_124 = arith.addi %mul3A_44, %mul3A_123 : i32
      %dma_start3A_125 = arith.constant 0 : i32
      %dma_start3A_126 = arith.constant 0 : i32
      %dma_start3A_127 = tpu.memref_slice %arg7[%squeeze3A_39, %dma_start3A_125, %dma_start3A_126] : memref<8x768x1536xf32, #tpu.memory_space<hbm>> -> memref<1x768x1536xf32, #tpu.memory_space<hbm>>
      %dma_start3A_128 = tpu.memref_squeeze %dma_start3A_127 : memref<1x768x1536xf32, #tpu.memory_space<hbm>> -> memref<768x1536xf32, #tpu.memory_space<hbm>>
      %dma_start3A_129 = arith.constant 0 : i32
      %dma_start3A_130 = tpu.memref_slice %dma_start3A_128[%add3A_124, %dma_start3A_129] : memref<768x1536xf32, #tpu.memory_space<hbm>> -> memref<16x1536xf32, #tpu.memory_space<hbm>>
      %dma_start3A_131 = arith.constant 0 : i32
      %dma_start3A_132 = arith.constant 0 : i32
      %dma_start3A_133 = tpu.memref_slice %arg7[%squeeze3A_39, %dma_start3A_131, %dma_start3A_132] : memref<8x768x1536xf32, #tpu.memory_space<hbm>> -> memref<1x768x1536xf32, #tpu.memory_space<hbm>>
      %dma_start3A_134 = tpu.memref_squeeze %dma_start3A_133 : memref<1x768x1536xf32, #tpu.memory_space<hbm>> -> memref<768x1536xf32, #tpu.memory_space<hbm>>
      %dma_start3A_135 = arith.constant 0 : i32
      %dma_start3A_136 = tpu.memref_slice %dma_start3A_134[%add3A_124, %dma_start3A_135] : memref<768x1536xf32, #tpu.memory_space<hbm>> -> memref<16x1536xf32, #tpu.memory_space<hbm>>
      tpu.enqueue_dma source(%arg11 : memref<16x1536xf32, #tpu.memory_space<vmem>>) target(%dma_start3A_136 : memref<16x1536xf32, #tpu.memory_space<hbm>>) target_semaphore(%arg16 : memref<!tpu.dma_semaphore, #tpu.memory_space<semaphore_mem>>)
      %lt3A_137 = arith.constant 5 : i32
      %lt3A_138 = arith.cmpi slt, %scan3A_86, %lt3A_137 : i32
      %convert_element_type3A_139 = arith.extui %lt3A_138 : i1 to i32
      %cond3A_140 = arith.constant 0 : i32
      %cond3A_141 = arith.cmpi ne, %convert_element_type3A_139, %cond3A_140 : i32
      scf.if %cond3A_141 {
        %dma_wait3A_171 = arith.constant 0 : i32
        %dma_wait3A_172 = arith.constant 0 : i32
        %dma_wait3A_173 = tpu.memref_slice %arg7[%squeeze3A_39, %dma_wait3A_171, %dma_wait3A_172] : memref<8x768x1536xf32, #tpu.memory_space<hbm>> -> memref<1x768x1536xf32, #tpu.memory_space<hbm>>
        %dma_wait3A_174 = tpu.memref_squeeze %dma_wait3A_173 : memref<1x768x1536xf32, #tpu.memory_space<hbm>> -> memref<768x1536xf32, #tpu.memory_space<hbm>>
        %dma_wait3A_175 = arith.constant 0 : i32
        %dma_wait3A_176 = tpu.memref_slice %dma_wait3A_174[%mul3A_44, %dma_wait3A_175] : memref<768x1536xf32, #tpu.memory_space<hbm>> -> memref<16x1536xf32, #tpu.memory_space<hbm>>
        %dma_wait3A_177 = arith.constant 0 : i32
        %dma_wait3A_178 = arith.constant 0 : i32
        %dma_wait3A_179 = tpu.memref_slice %arg7[%squeeze3A_39, %dma_wait3A_177, %dma_wait3A_178] : memref<8x768x1536xf32, #tpu.memory_space<hbm>> -> memref<1x768x1536xf32, #tpu.memory_space<hbm>>
        %dma_wait3A_180 = tpu.memref_squeeze %dma_wait3A_179 : memref<1x768x1536xf32, #tpu.memory_space<hbm>> -> memref<768x1536xf32, #tpu.memory_space<hbm>>
        %dma_wait3A_181 = arith.constant 0 : i32
        %dma_wait3A_182 = tpu.memref_slice %dma_wait3A_180[%mul3A_44, %dma_wait3A_181] : memref<768x1536xf32, #tpu.memory_space<hbm>> -> memref<16x1536xf32, #tpu.memory_space<hbm>>
        tpu.wait_dma2 semaphore(%arg16 : memref<!tpu.dma_semaphore, #tpu.memory_space<semaphore_mem>>) src(%arg11 : memref<16x1536xf32, #tpu.memory_space<vmem>>) dst(%dma_wait3A_182 : memref<16x1536xf32, #tpu.memory_space<hbm>>)
        %add3A_183 = arith.constant 2 : i32
        %add3A_184 = arith.addi %mul3A_88, %add3A_183 : i32
        %mul3A_185 = arith.constant 16 : i32
        %mul3A_186 = arith.muli %add3A_184, %mul3A_185 : i32
        %add3A_187 = arith.addi %mul3A_44, %mul3A_186 : i32
        %dma_start3A_188 = arith.constant 0 : i32
        %dma_start3A_189 = arith.constant 0 : i32
        %dma_start3A_190 = tpu.memref_slice %arg2[%squeeze3A, %dma_start3A_188, %dma_start3A_189] : memref<16x768x1536xf32, #tpu.memory_space<hbm>> -> memref<1x768x1536xf32, #tpu.memory_space<hbm>>
        %dma_start3A_191 = tpu.memref_squeeze %dma_start3A_190 : memref<1x768x1536xf32, #tpu.memory_space<hbm>> -> memref<768x1536xf32, #tpu.memory_space<hbm>>
        %dma_start3A_192 = arith.constant 0 : i32
        %dma_start3A_193 = tpu.memref_slice %dma_start3A_191[%add3A_187, %dma_start3A_192] : memref<768x1536xf32, #tpu.memory_space<hbm>> -> memref<16x1536xf32, #tpu.memory_space<hbm>>
        %dma_start3A_194 = arith.constant 0 : i32
        %dma_start3A_195 = arith.constant 0 : i32
        %dma_start3A_196 = tpu.memref_slice %arg2[%squeeze3A, %dma_start3A_194, %dma_start3A_195] : memref<16x768x1536xf32, #tpu.memory_space<hbm>> -> memref<1x768x1536xf32, #tpu.memory_space<hbm>>
        %dma_start3A_197 = tpu.memref_squeeze %dma_start3A_196 : memref<1x768x1536xf32, #tpu.memory_space<hbm>> -> memref<768x1536xf32, #tpu.memory_space<hbm>>
        %dma_start3A_198 = arith.constant 0 : i32
        %dma_start3A_199 = tpu.memref_slice %dma_start3A_197[%add3A_187, %dma_start3A_198] : memref<768x1536xf32, #tpu.memory_space<hbm>> -> memref<16x1536xf32, #tpu.memory_space<hbm>>
        tpu.enqueue_dma source(%dma_start3A_199 : memref<16x1536xf32, #tpu.memory_space<hbm>>) target(%arg11 : memref<16x1536xf32, #tpu.memory_space<vmem>>) target_semaphore(%arg14 : memref<!tpu.dma_semaphore, #tpu.memory_space<semaphore_mem>>)
      } else {
      }
      %dma_wait3A_142 = arith.constant 0 : i32
      %dma_wait3A_143 = arith.constant 0 : i32
      %dma_wait3A_144 = tpu.memref_slice %arg2[%squeeze3A, %dma_wait3A_142, %dma_wait3A_143] : memref<16x768x1536xf32, #tpu.memory_space<hbm>> -> memref<1x768x1536xf32, #tpu.memory_space<hbm>>
      %dma_wait3A_145 = tpu.memref_squeeze %dma_wait3A_144 : memref<1x768x1536xf32, #tpu.memory_space<hbm>> -> memref<768x1536xf32, #tpu.memory_space<hbm>>
      %dma_wait3A_146 = arith.constant 0 : i32
      %dma_wait3A_147 = tpu.memref_slice %dma_wait3A_145[%mul3A_44, %dma_wait3A_146] : memref<768x1536xf32, #tpu.memory_space<hbm>> -> memref<16x1536xf32, #tpu.memory_space<hbm>>
      %dma_wait3A_148 = arith.constant 0 : i32
      %dma_wait3A_149 = arith.constant 0 : i32
      %dma_wait3A_150 = tpu.memref_slice %arg2[%squeeze3A, %dma_wait3A_148, %dma_wait3A_149] : memref<16x768x1536xf32, #tpu.memory_space<hbm>> -> memref<1x768x1536xf32, #tpu.memory_space<hbm>>
      %dma_wait3A_151 = tpu.memref_squeeze %dma_wait3A_150 : memref<1x768x1536xf32, #tpu.memory_space<hbm>> -> memref<768x1536xf32, #tpu.memory_space<hbm>>
      %dma_wait3A_152 = arith.constant 0 : i32
      %dma_wait3A_153 = tpu.memref_slice %dma_wait3A_151[%mul3A_44, %dma_wait3A_152] : memref<768x1536xf32, #tpu.memory_space<hbm>> -> memref<16x1536xf32, #tpu.memory_space<hbm>>
      tpu.wait_dma2 semaphore(%arg15 : memref<!tpu.dma_semaphore, #tpu.memory_space<semaphore_mem>>) src(%dma_wait3A_153 : memref<16x1536xf32, #tpu.memory_space<hbm>>) dst(%arg12 : memref<16x1536xf32, #tpu.memory_space<vmem>>)
      %add3A_154 = arith.constant 1 : i32
      %add3A_155 = arith.addi %mul3A_88, %add3A_154 : i32
      %mul3A_156 = arith.constant 16 : i32
      %mul3A_157 = arith.muli %add3A_155, %mul3A_156 : i32
      %add3A_158 = arith.addi %mul3A_44, %mul3A_157 : i32
      %dma_start3A_159 = arith.constant 0 : i32
      %dma_start3A_160 = arith.constant 0 : i32
      %dma_start3A_161 = tpu.memref_slice %arg7[%squeeze3A_39, %dma_start3A_159, %dma_start3A_160] : memref<8x768x1536xf32, #tpu.memory_space<hbm>> -> memref<1x768x1536xf32, #tpu.memory_space<hbm>>
      %dma_start3A_162 = tpu.memref_squeeze %dma_start3A_161 : memref<1x768x1536xf32, #tpu.memory_space<hbm>> -> memref<768x1536xf32, #tpu.memory_space<hbm>>
      %dma_start3A_163 = arith.constant 0 : i32
      %dma_start3A_164 = tpu.memref_slice %dma_start3A_162[%add3A_158, %dma_start3A_163] : memref<768x1536xf32, #tpu.memory_space<hbm>> -> memref<16x1536xf32, #tpu.memory_space<hbm>>
      %dma_start3A_165 = arith.constant 0 : i32
      %dma_start3A_166 = arith.constant 0 : i32
      %dma_start3A_167 = tpu.memref_slice %arg7[%squeeze3A_39, %dma_start3A_165, %dma_start3A_166] : memref<8x768x1536xf32, #tpu.memory_space<hbm>> -> memref<1x768x1536xf32, #tpu.memory_space<hbm>>
      %dma_start3A_168 = tpu.memref_squeeze %dma_start3A_167 : memref<1x768x1536xf32, #tpu.memory_space<hbm>> -> memref<768x1536xf32, #tpu.memory_space<hbm>>
      %dma_start3A_169 = arith.constant 0 : i32
      %dma_start3A_170 = tpu.memref_slice %dma_start3A_168[%add3A_158, %dma_start3A_169] : memref<768x1536xf32, #tpu.memory_space<hbm>> -> memref<16x1536xf32, #tpu.memory_space<hbm>>
      tpu.enqueue_dma source(%arg12 : memref<16x1536xf32, #tpu.memory_space<vmem>>) target(%dma_start3A_170 : memref<16x1536xf32, #tpu.memory_space<hbm>>) target_semaphore(%arg17 : memref<!tpu.dma_semaphore, #tpu.memory_space<semaphore_mem>>)
    }
    %scan3A_62 = arith.constant 6 : i32
    %dma_wait3A = arith.constant 0 : i32
    %dma_wait3A_63 = arith.constant 0 : i32
    %dma_wait3A_64 = tpu.memref_slice %arg7[%squeeze3A_39, %dma_wait3A, %dma_wait3A_63] : memref<8x768x1536xf32, #tpu.memory_space<hbm>> -> memref<1x768x1536xf32, #tpu.memory_space<hbm>>
    %dma_wait3A_65 = tpu.memref_squeeze %dma_wait3A_64 : memref<1x768x1536xf32, #tpu.memory_space<hbm>> -> memref<768x1536xf32, #tpu.memory_space<hbm>>
    %dma_wait3A_66 = arith.constant 0 : i32
    %dma_wait3A_67 = tpu.memref_slice %dma_wait3A_65[%mul3A_44, %dma_wait3A_66] : memref<768x1536xf32, #tpu.memory_space<hbm>> -> memref<16x1536xf32, #tpu.memory_space<hbm>>
    %dma_wait3A_68 = arith.constant 0 : i32
    %dma_wait3A_69 = arith.constant 0 : i32
    %dma_wait3A_70 = tpu.memref_slice %arg7[%squeeze3A_39, %dma_wait3A_68, %dma_wait3A_69] : memref<8x768x1536xf32, #tpu.memory_space<hbm>> -> memref<1x768x1536xf32, #tpu.memory_space<hbm>>
    %dma_wait3A_71 = tpu.memref_squeeze %dma_wait3A_70 : memref<1x768x1536xf32, #tpu.memory_space<hbm>> -> memref<768x1536xf32, #tpu.memory_space<hbm>>
    %dma_wait3A_72 = arith.constant 0 : i32
    %dma_wait3A_73 = tpu.memref_slice %dma_wait3A_71[%mul3A_44, %dma_wait3A_72] : memref<768x1536xf32, #tpu.memory_space<hbm>> -> memref<16x1536xf32, #tpu.memory_space<hbm>>
    tpu.wait_dma2 semaphore(%arg16 : memref<!tpu.dma_semaphore, #tpu.memory_space<semaphore_mem>>) src(%arg11 : memref<16x1536xf32, #tpu.memory_space<vmem>>) dst(%dma_wait3A_73 : memref<16x1536xf32, #tpu.memory_space<hbm>>)
    %dma_wait3A_74 = arith.constant 0 : i32
    %dma_wait3A_75 = arith.constant 0 : i32
    %dma_wait3A_76 = tpu.memref_slice %arg7[%squeeze3A_39, %dma_wait3A_74, %dma_wait3A_75] : memref<8x768x1536xf32, #tpu.memory_space<hbm>> -> memref<1x768x1536xf32, #tpu.memory_space<hbm>>
    %dma_wait3A_77 = tpu.memref_squeeze %dma_wait3A_76 : memref<1x768x1536xf32, #tpu.memory_space<hbm>> -> memref<768x1536xf32, #tpu.memory_space<hbm>>
    %dma_wait3A_78 = arith.constant 0 : i32
    %dma_wait3A_79 = tpu.memref_slice %dma_wait3A_77[%mul3A_44, %dma_wait3A_78] : memref<768x1536xf32, #tpu.memory_space<hbm>> -> memref<16x1536xf32, #tpu.memory_space<hbm>>
    %dma_wait3A_80 = arith.constant 0 : i32
    %dma_wait3A_81 = arith.constant 0 : i32
    %dma_wait3A_82 = tpu.memref_slice %arg7[%squeeze3A_39, %dma_wait3A_80, %dma_wait3A_81] : memref<8x768x1536xf32, #tpu.memory_space<hbm>> -> memref<1x768x1536xf32, #tpu.memory_space<hbm>>
    %dma_wait3A_83 = tpu.memref_squeeze %dma_wait3A_82 : memref<1x768x1536xf32, #tpu.memory_space<hbm>> -> memref<768x1536xf32, #tpu.memory_space<hbm>>
    %dma_wait3A_84 = arith.constant 0 : i32
    %dma_wait3A_85 = tpu.memref_slice %dma_wait3A_83[%mul3A_44, %dma_wait3A_84] : memref<768x1536xf32, #tpu.memory_space<hbm>> -> memref<16x1536xf32, #tpu.memory_space<hbm>>
    tpu.wait_dma2 semaphore(%arg17 : memref<!tpu.dma_semaphore, #tpu.memory_space<semaphore_mem>>) src(%arg12 : memref<16x1536xf32, #tpu.memory_space<vmem>>) dst(%dma_wait3A_85 : memref<16x1536xf32, #tpu.memory_space<hbm>>)
    return
  }
}

module attributes {stable_mosaic.version = 14 : i64} {
  func.func @_tc_body(%arg0: memref<8xi32, #tpu.memory_space<smem>>, %arg1: memref<8xi32, #tpu.memory_space<smem>>, %arg2: memref<16x3072x768xf32, #tpu.memory_space<hbm>>, %arg3: memref<8x3072x768xf32, #tpu.memory_space<hbm>>, %arg4: memref<768x768xf32, #tpu.memory_space<vmem>>, %arg5: memref<768x768xf32, #tpu.memory_space<vmem>>, %arg6: memref<768x768xf32, #tpu.memory_space<vmem>>, %arg7: memref<768x768xf32, #tpu.memory_space<vmem>>, %arg8: memref<768x768xf32, #tpu.memory_space<vmem>>, %arg9: memref<768x768xf32, #tpu.memory_space<vmem>>, %arg10: memref<!tpu.dma_semaphore, #tpu.memory_space<semaphore_mem>>, %arg11: memref<!tpu.dma_semaphore, #tpu.memory_space<semaphore_mem>>, %arg12: memref<!tpu.dma_semaphore, #tpu.memory_space<semaphore_mem>>, %arg13: memref<!tpu.dma_semaphore, #tpu.memory_space<semaphore_mem>>, %arg14: memref<!tpu.dma_semaphore, #tpu.memory_space<semaphore_mem>>, %arg15: memref<!tpu.dma_semaphore, #tpu.memory_space<semaphore_mem>>, %arg16: memref<!tpu.dma_semaphore, #tpu.memory_space<semaphore_mem>>, %arg17: memref<!tpu.dma_semaphore, #tpu.memory_space<semaphore_mem>>, %arg18: memref<!tpu.dma_semaphore, #tpu.memory_space<semaphore_mem>>, %arg19: memref<!tpu.dma_semaphore, #tpu.memory_space<semaphore_mem>>, %arg20: memref<!tpu.dma_semaphore, #tpu.memory_space<semaphore_mem>>, %arg21: memref<!tpu.dma_semaphore, #tpu.memory_space<semaphore_mem>>) attributes {dimension_semantics = [], scalar_prefetch = 2 : i64, scratch_operands = 18 : i64, tpu.core_type = #tpu.core_type<tc>} {
    %get3A = arith.constant 0 : index
    %get3A_0 = memref.load %arg0[%get3A] : memref<8xi32, #tpu.memory_space<smem>>
    %dma_start3A = arith.constant 0 : i32
    %dma_start3A_1 = arith.constant 0 : i32
    %dma_start3A_2 = tpu.memref_slice %arg2[%get3A_0, %dma_start3A, %dma_start3A_1] : memref<16x3072x768xf32, #tpu.memory_space<hbm>> -> memref<1x768x768xf32, #tpu.memory_space<hbm>>
    %dma_start3A_3 = tpu.memref_squeeze %dma_start3A_2 : memref<1x768x768xf32, #tpu.memory_space<hbm>> -> memref<768x768xf32, #tpu.memory_space<hbm>>
    tpu.enqueue_dma source(%dma_start3A_3 : memref<768x768xf32, #tpu.memory_space<hbm>>) target(%arg4 : memref<768x768xf32, #tpu.memory_space<vmem>>) target_semaphore(%arg10 : memref<!tpu.dma_semaphore, #tpu.memory_space<semaphore_mem>>)
    %get3A_4 = arith.constant 0 : index
    %get3A_5 = memref.load %arg0[%get3A_4] : memref<8xi32, #tpu.memory_space<smem>>
    %dma_start3A_6 = arith.constant 768 : i32
    %dma_start3A_7 = arith.constant 0 : i32
    %dma_start3A_8 = tpu.memref_slice %arg2[%get3A_5, %dma_start3A_6, %dma_start3A_7] : memref<16x3072x768xf32, #tpu.memory_space<hbm>> -> memref<1x768x768xf32, #tpu.memory_space<hbm>>
    %dma_start3A_9 = tpu.memref_squeeze %dma_start3A_8 : memref<1x768x768xf32, #tpu.memory_space<hbm>> -> memref<768x768xf32, #tpu.memory_space<hbm>>
    tpu.enqueue_dma source(%dma_start3A_9 : memref<768x768xf32, #tpu.memory_space<hbm>>) target(%arg5 : memref<768x768xf32, #tpu.memory_space<vmem>>) target_semaphore(%arg11 : memref<!tpu.dma_semaphore, #tpu.memory_space<semaphore_mem>>)
    %get3A_10 = arith.constant 0 : index
    %get3A_11 = memref.load %arg0[%get3A_10] : memref<8xi32, #tpu.memory_space<smem>>
    %dma_start3A_12 = arith.constant 1536 : i32
    %dma_start3A_13 = arith.constant 0 : i32
    %dma_start3A_14 = tpu.memref_slice %arg2[%get3A_11, %dma_start3A_12, %dma_start3A_13] : memref<16x3072x768xf32, #tpu.memory_space<hbm>> -> memref<1x768x768xf32, #tpu.memory_space<hbm>>
    %dma_start3A_15 = tpu.memref_squeeze %dma_start3A_14 : memref<1x768x768xf32, #tpu.memory_space<hbm>> -> memref<768x768xf32, #tpu.memory_space<hbm>>
    tpu.enqueue_dma source(%dma_start3A_15 : memref<768x768xf32, #tpu.memory_space<hbm>>) target(%arg6 : memref<768x768xf32, #tpu.memory_space<vmem>>) target_semaphore(%arg12 : memref<!tpu.dma_semaphore, #tpu.memory_space<semaphore_mem>>)
    %get3A_16 = arith.constant 0 : index
    %get3A_17 = memref.load %arg0[%get3A_16] : memref<8xi32, #tpu.memory_space<smem>>
    %dma_wait3A = arith.constant 0 : i32
    %dma_wait3A_18 = arith.constant 0 : i32
    %dma_wait3A_19 = tpu.memref_slice %arg2[%get3A_17, %dma_wait3A, %dma_wait3A_18] : memref<16x3072x768xf32, #tpu.memory_space<hbm>> -> memref<1x768x768xf32, #tpu.memory_space<hbm>>
    %dma_wait3A_20 = tpu.memref_squeeze %dma_wait3A_19 : memref<1x768x768xf32, #tpu.memory_space<hbm>> -> memref<768x768xf32, #tpu.memory_space<hbm>>
    tpu.wait_dma2 semaphore(%arg10 : memref<!tpu.dma_semaphore, #tpu.memory_space<semaphore_mem>>) src(%dma_wait3A_20 : memref<768x768xf32, #tpu.memory_space<hbm>>) dst(%arg4 : memref<768x768xf32, #tpu.memory_space<vmem>>)
    %get3A_21 = arith.constant 0 : index
    %get3A_22 = memref.load %arg1[%get3A_21] : memref<8xi32, #tpu.memory_space<smem>>
    %dma_start3A_23 = arith.constant 0 : i32
    %dma_start3A_24 = arith.constant 0 : i32
    %dma_start3A_25 = tpu.memref_slice %arg3[%get3A_22, %dma_start3A_23, %dma_start3A_24] : memref<8x3072x768xf32, #tpu.memory_space<hbm>> -> memref<1x768x768xf32, #tpu.memory_space<hbm>>
    %dma_start3A_26 = tpu.memref_squeeze %dma_start3A_25 : memref<1x768x768xf32, #tpu.memory_space<hbm>> -> memref<768x768xf32, #tpu.memory_space<hbm>>
    tpu.enqueue_dma source(%arg4 : memref<768x768xf32, #tpu.memory_space<vmem>>) target(%dma_start3A_26 : memref<768x768xf32, #tpu.memory_space<hbm>>) target_semaphore(%arg16 : memref<!tpu.dma_semaphore, #tpu.memory_space<semaphore_mem>>)
    %get3A_27 = arith.constant 0 : index
    %get3A_28 = memref.load %arg0[%get3A_27] : memref<8xi32, #tpu.memory_space<smem>>
    %dma_start3A_29 = arith.constant 2304 : i32
    %dma_start3A_30 = arith.constant 0 : i32
    %dma_start3A_31 = tpu.memref_slice %arg2[%get3A_28, %dma_start3A_29, %dma_start3A_30] : memref<16x3072x768xf32, #tpu.memory_space<hbm>> -> memref<1x768x768xf32, #tpu.memory_space<hbm>>
    %dma_start3A_32 = tpu.memref_squeeze %dma_start3A_31 : memref<1x768x768xf32, #tpu.memory_space<hbm>> -> memref<768x768xf32, #tpu.memory_space<hbm>>
    tpu.enqueue_dma source(%dma_start3A_32 : memref<768x768xf32, #tpu.memory_space<hbm>>) target(%arg7 : memref<768x768xf32, #tpu.memory_space<vmem>>) target_semaphore(%arg13 : memref<!tpu.dma_semaphore, #tpu.memory_space<semaphore_mem>>)
    %get3A_33 = arith.constant 0 : index
    %get3A_34 = memref.load %arg0[%get3A_33] : memref<8xi32, #tpu.memory_space<smem>>
    %dma_wait3A_35 = arith.constant 768 : i32
    %dma_wait3A_36 = arith.constant 0 : i32
    %dma_wait3A_37 = tpu.memref_slice %arg2[%get3A_34, %dma_wait3A_35, %dma_wait3A_36] : memref<16x3072x768xf32, #tpu.memory_space<hbm>> -> memref<1x768x768xf32, #tpu.memory_space<hbm>>
    %dma_wait3A_38 = tpu.memref_squeeze %dma_wait3A_37 : memref<1x768x768xf32, #tpu.memory_space<hbm>> -> memref<768x768xf32, #tpu.memory_space<hbm>>
    tpu.wait_dma2 semaphore(%arg11 : memref<!tpu.dma_semaphore, #tpu.memory_space<semaphore_mem>>) src(%dma_wait3A_38 : memref<768x768xf32, #tpu.memory_space<hbm>>) dst(%arg5 : memref<768x768xf32, #tpu.memory_space<vmem>>)
    %get3A_39 = arith.constant 0 : index
    %get3A_40 = memref.load %arg1[%get3A_39] : memref<8xi32, #tpu.memory_space<smem>>
    %dma_start3A_41 = arith.constant 768 : i32
    %dma_start3A_42 = arith.constant 0 : i32
    %dma_start3A_43 = tpu.memref_slice %arg3[%get3A_40, %dma_start3A_41, %dma_start3A_42] : memref<8x3072x768xf32, #tpu.memory_space<hbm>> -> memref<1x768x768xf32, #tpu.memory_space<hbm>>
    %dma_start3A_44 = tpu.memref_squeeze %dma_start3A_43 : memref<1x768x768xf32, #tpu.memory_space<hbm>> -> memref<768x768xf32, #tpu.memory_space<hbm>>
    tpu.enqueue_dma source(%arg5 : memref<768x768xf32, #tpu.memory_space<vmem>>) target(%dma_start3A_44 : memref<768x768xf32, #tpu.memory_space<hbm>>) target_semaphore(%arg17 : memref<!tpu.dma_semaphore, #tpu.memory_space<semaphore_mem>>)
    %get3A_45 = arith.constant 1 : index
    %get3A_46 = memref.load %arg0[%get3A_45] : memref<8xi32, #tpu.memory_space<smem>>
    %dma_start3A_47 = arith.constant 0 : i32
    %dma_start3A_48 = arith.constant 0 : i32
    %dma_start3A_49 = tpu.memref_slice %arg2[%get3A_46, %dma_start3A_47, %dma_start3A_48] : memref<16x3072x768xf32, #tpu.memory_space<hbm>> -> memref<1x768x768xf32, #tpu.memory_space<hbm>>
    %dma_start3A_50 = tpu.memref_squeeze %dma_start3A_49 : memref<1x768x768xf32, #tpu.memory_space<hbm>> -> memref<768x768xf32, #tpu.memory_space<hbm>>
    tpu.enqueue_dma source(%dma_start3A_50 : memref<768x768xf32, #tpu.memory_space<hbm>>) target(%arg8 : memref<768x768xf32, #tpu.memory_space<vmem>>) target_semaphore(%arg14 : memref<!tpu.dma_semaphore, #tpu.memory_space<semaphore_mem>>)
    %get3A_51 = arith.constant 0 : index
    %get3A_52 = memref.load %arg0[%get3A_51] : memref<8xi32, #tpu.memory_space<smem>>
    %dma_wait3A_53 = arith.constant 1536 : i32
    %dma_wait3A_54 = arith.constant 0 : i32
    %dma_wait3A_55 = tpu.memref_slice %arg2[%get3A_52, %dma_wait3A_53, %dma_wait3A_54] : memref<16x3072x768xf32, #tpu.memory_space<hbm>> -> memref<1x768x768xf32, #tpu.memory_space<hbm>>
    %dma_wait3A_56 = tpu.memref_squeeze %dma_wait3A_55 : memref<1x768x768xf32, #tpu.memory_space<hbm>> -> memref<768x768xf32, #tpu.memory_space<hbm>>
    tpu.wait_dma2 semaphore(%arg12 : memref<!tpu.dma_semaphore, #tpu.memory_space<semaphore_mem>>) src(%dma_wait3A_56 : memref<768x768xf32, #tpu.memory_space<hbm>>) dst(%arg6 : memref<768x768xf32, #tpu.memory_space<vmem>>)
    %get3A_57 = arith.constant 0 : index
    %get3A_58 = memref.load %arg1[%get3A_57] : memref<8xi32, #tpu.memory_space<smem>>
    %dma_start3A_59 = arith.constant 1536 : i32
    %dma_start3A_60 = arith.constant 0 : i32
    %dma_start3A_61 = tpu.memref_slice %arg3[%get3A_58, %dma_start3A_59, %dma_start3A_60] : memref<8x3072x768xf32, #tpu.memory_space<hbm>> -> memref<1x768x768xf32, #tpu.memory_space<hbm>>
    %dma_start3A_62 = tpu.memref_squeeze %dma_start3A_61 : memref<1x768x768xf32, #tpu.memory_space<hbm>> -> memref<768x768xf32, #tpu.memory_space<hbm>>
    tpu.enqueue_dma source(%arg6 : memref<768x768xf32, #tpu.memory_space<vmem>>) target(%dma_start3A_62 : memref<768x768xf32, #tpu.memory_space<hbm>>) target_semaphore(%arg18 : memref<!tpu.dma_semaphore, #tpu.memory_space<semaphore_mem>>)
    %get3A_63 = arith.constant 1 : index
    %get3A_64 = memref.load %arg0[%get3A_63] : memref<8xi32, #tpu.memory_space<smem>>
    %dma_start3A_65 = arith.constant 768 : i32
    %dma_start3A_66 = arith.constant 0 : i32
    %dma_start3A_67 = tpu.memref_slice %arg2[%get3A_64, %dma_start3A_65, %dma_start3A_66] : memref<16x3072x768xf32, #tpu.memory_space<hbm>> -> memref<1x768x768xf32, #tpu.memory_space<hbm>>
    %dma_start3A_68 = tpu.memref_squeeze %dma_start3A_67 : memref<1x768x768xf32, #tpu.memory_space<hbm>> -> memref<768x768xf32, #tpu.memory_space<hbm>>
    tpu.enqueue_dma source(%dma_start3A_68 : memref<768x768xf32, #tpu.memory_space<hbm>>) target(%arg9 : memref<768x768xf32, #tpu.memory_space<vmem>>) target_semaphore(%arg15 : memref<!tpu.dma_semaphore, #tpu.memory_space<semaphore_mem>>)
    %get3A_69 = arith.constant 0 : index
    %get3A_70 = memref.load %arg0[%get3A_69] : memref<8xi32, #tpu.memory_space<smem>>
    %dma_wait3A_71 = arith.constant 2304 : i32
    %dma_wait3A_72 = arith.constant 0 : i32
    %dma_wait3A_73 = tpu.memref_slice %arg2[%get3A_70, %dma_wait3A_71, %dma_wait3A_72] : memref<16x3072x768xf32, #tpu.memory_space<hbm>> -> memref<1x768x768xf32, #tpu.memory_space<hbm>>
    %dma_wait3A_74 = tpu.memref_squeeze %dma_wait3A_73 : memref<1x768x768xf32, #tpu.memory_space<hbm>> -> memref<768x768xf32, #tpu.memory_space<hbm>>
    tpu.wait_dma2 semaphore(%arg13 : memref<!tpu.dma_semaphore, #tpu.memory_space<semaphore_mem>>) src(%dma_wait3A_74 : memref<768x768xf32, #tpu.memory_space<hbm>>) dst(%arg7 : memref<768x768xf32, #tpu.memory_space<vmem>>)
    %get3A_75 = arith.constant 0 : index
    %get3A_76 = memref.load %arg1[%get3A_75] : memref<8xi32, #tpu.memory_space<smem>>
    %dma_start3A_77 = arith.constant 2304 : i32
    %dma_start3A_78 = arith.constant 0 : i32
    %dma_start3A_79 = tpu.memref_slice %arg3[%get3A_76, %dma_start3A_77, %dma_start3A_78] : memref<8x3072x768xf32, #tpu.memory_space<hbm>> -> memref<1x768x768xf32, #tpu.memory_space<hbm>>
    %dma_start3A_80 = tpu.memref_squeeze %dma_start3A_79 : memref<1x768x768xf32, #tpu.memory_space<hbm>> -> memref<768x768xf32, #tpu.memory_space<hbm>>
    tpu.enqueue_dma source(%arg7 : memref<768x768xf32, #tpu.memory_space<vmem>>) target(%dma_start3A_80 : memref<768x768xf32, #tpu.memory_space<hbm>>) target_semaphore(%arg19 : memref<!tpu.dma_semaphore, #tpu.memory_space<semaphore_mem>>)
    %get3A_81 = arith.constant 0 : index
    %get3A_82 = memref.load %arg1[%get3A_81] : memref<8xi32, #tpu.memory_space<smem>>
    %dma_wait3A_83 = arith.constant 0 : i32
    %dma_wait3A_84 = arith.constant 0 : i32
    %dma_wait3A_85 = tpu.memref_slice %arg3[%get3A_82, %dma_wait3A_83, %dma_wait3A_84] : memref<8x3072x768xf32, #tpu.memory_space<hbm>> -> memref<1x768x768xf32, #tpu.memory_space<hbm>>
    %dma_wait3A_86 = tpu.memref_squeeze %dma_wait3A_85 : memref<1x768x768xf32, #tpu.memory_space<hbm>> -> memref<768x768xf32, #tpu.memory_space<hbm>>
    tpu.wait_dma2 semaphore(%arg16 : memref<!tpu.dma_semaphore, #tpu.memory_space<semaphore_mem>>) src(%arg4 : memref<768x768xf32, #tpu.memory_space<vmem>>) dst(%dma_wait3A_86 : memref<768x768xf32, #tpu.memory_space<hbm>>)
    %get3A_87 = arith.constant 1 : index
    %get3A_88 = memref.load %arg0[%get3A_87] : memref<8xi32, #tpu.memory_space<smem>>
    %dma_start3A_89 = arith.constant 1536 : i32
    %dma_start3A_90 = arith.constant 0 : i32
    %dma_start3A_91 = tpu.memref_slice %arg2[%get3A_88, %dma_start3A_89, %dma_start3A_90] : memref<16x3072x768xf32, #tpu.memory_space<hbm>> -> memref<1x768x768xf32, #tpu.memory_space<hbm>>
    %dma_start3A_92 = tpu.memref_squeeze %dma_start3A_91 : memref<1x768x768xf32, #tpu.memory_space<hbm>> -> memref<768x768xf32, #tpu.memory_space<hbm>>
    tpu.enqueue_dma source(%dma_start3A_92 : memref<768x768xf32, #tpu.memory_space<hbm>>) target(%arg4 : memref<768x768xf32, #tpu.memory_space<vmem>>) target_semaphore(%arg10 : memref<!tpu.dma_semaphore, #tpu.memory_space<semaphore_mem>>)
    %get3A_93 = arith.constant 1 : index
    %get3A_94 = memref.load %arg0[%get3A_93] : memref<8xi32, #tpu.memory_space<smem>>
    %dma_wait3A_95 = arith.constant 0 : i32
    %dma_wait3A_96 = arith.constant 0 : i32
    %dma_wait3A_97 = tpu.memref_slice %arg2[%get3A_94, %dma_wait3A_95, %dma_wait3A_96] : memref<16x3072x768xf32, #tpu.memory_space<hbm>> -> memref<1x768x768xf32, #tpu.memory_space<hbm>>
    %dma_wait3A_98 = tpu.memref_squeeze %dma_wait3A_97 : memref<1x768x768xf32, #tpu.memory_space<hbm>> -> memref<768x768xf32, #tpu.memory_space<hbm>>
    tpu.wait_dma2 semaphore(%arg14 : memref<!tpu.dma_semaphore, #tpu.memory_space<semaphore_mem>>) src(%dma_wait3A_98 : memref<768x768xf32, #tpu.memory_space<hbm>>) dst(%arg8 : memref<768x768xf32, #tpu.memory_space<vmem>>)
    %get3A_99 = arith.constant 1 : index
    %get3A_100 = memref.load %arg1[%get3A_99] : memref<8xi32, #tpu.memory_space<smem>>
    %dma_start3A_101 = arith.constant 0 : i32
    %dma_start3A_102 = arith.constant 0 : i32
    %dma_start3A_103 = tpu.memref_slice %arg3[%get3A_100, %dma_start3A_101, %dma_start3A_102] : memref<8x3072x768xf32, #tpu.memory_space<hbm>> -> memref<1x768x768xf32, #tpu.memory_space<hbm>>
    %dma_start3A_104 = tpu.memref_squeeze %dma_start3A_103 : memref<1x768x768xf32, #tpu.memory_space<hbm>> -> memref<768x768xf32, #tpu.memory_space<hbm>>
    tpu.enqueue_dma source(%arg8 : memref<768x768xf32, #tpu.memory_space<vmem>>) target(%dma_start3A_104 : memref<768x768xf32, #tpu.memory_space<hbm>>) target_semaphore(%arg20 : memref<!tpu.dma_semaphore, #tpu.memory_space<semaphore_mem>>)
    %get3A_105 = arith.constant 0 : index
    %get3A_106 = memref.load %arg1[%get3A_105] : memref<8xi32, #tpu.memory_space<smem>>
    %dma_wait3A_107 = arith.constant 768 : i32
    %dma_wait3A_108 = arith.constant 0 : i32
    %dma_wait3A_109 = tpu.memref_slice %arg3[%get3A_106, %dma_wait3A_107, %dma_wait3A_108] : memref<8x3072x768xf32, #tpu.memory_space<hbm>> -> memref<1x768x768xf32, #tpu.memory_space<hbm>>
    %dma_wait3A_110 = tpu.memref_squeeze %dma_wait3A_109 : memref<1x768x768xf32, #tpu.memory_space<hbm>> -> memref<768x768xf32, #tpu.memory_space<hbm>>
    tpu.wait_dma2 semaphore(%arg17 : memref<!tpu.dma_semaphore, #tpu.memory_space<semaphore_mem>>) src(%arg5 : memref<768x768xf32, #tpu.memory_space<vmem>>) dst(%dma_wait3A_110 : memref<768x768xf32, #tpu.memory_space<hbm>>)
    %get3A_111 = arith.constant 1 : index
    %get3A_112 = memref.load %arg0[%get3A_111] : memref<8xi32, #tpu.memory_space<smem>>
    %dma_start3A_113 = arith.constant 2304 : i32
    %dma_start3A_114 = arith.constant 0 : i32
    %dma_start3A_115 = tpu.memref_slice %arg2[%get3A_112, %dma_start3A_113, %dma_start3A_114] : memref<16x3072x768xf32, #tpu.memory_space<hbm>> -> memref<1x768x768xf32, #tpu.memory_space<hbm>>
    %dma_start3A_116 = tpu.memref_squeeze %dma_start3A_115 : memref<1x768x768xf32, #tpu.memory_space<hbm>> -> memref<768x768xf32, #tpu.memory_space<hbm>>
    tpu.enqueue_dma source(%dma_start3A_116 : memref<768x768xf32, #tpu.memory_space<hbm>>) target(%arg5 : memref<768x768xf32, #tpu.memory_space<vmem>>) target_semaphore(%arg11 : memref<!tpu.dma_semaphore, #tpu.memory_space<semaphore_mem>>)
    %get3A_117 = arith.constant 1 : index
    %get3A_118 = memref.load %arg0[%get3A_117] : memref<8xi32, #tpu.memory_space<smem>>
    %dma_wait3A_119 = arith.constant 768 : i32
    %dma_wait3A_120 = arith.constant 0 : i32
    %dma_wait3A_121 = tpu.memref_slice %arg2[%get3A_118, %dma_wait3A_119, %dma_wait3A_120] : memref<16x3072x768xf32, #tpu.memory_space<hbm>> -> memref<1x768x768xf32, #tpu.memory_space<hbm>>
    %dma_wait3A_122 = tpu.memref_squeeze %dma_wait3A_121 : memref<1x768x768xf32, #tpu.memory_space<hbm>> -> memref<768x768xf32, #tpu.memory_space<hbm>>
    tpu.wait_dma2 semaphore(%arg15 : memref<!tpu.dma_semaphore, #tpu.memory_space<semaphore_mem>>) src(%dma_wait3A_122 : memref<768x768xf32, #tpu.memory_space<hbm>>) dst(%arg9 : memref<768x768xf32, #tpu.memory_space<vmem>>)
    %get3A_123 = arith.constant 1 : index
    %get3A_124 = memref.load %arg1[%get3A_123] : memref<8xi32, #tpu.memory_space<smem>>
    %dma_start3A_125 = arith.constant 768 : i32
    %dma_start3A_126 = arith.constant 0 : i32
    %dma_start3A_127 = tpu.memref_slice %arg3[%get3A_124, %dma_start3A_125, %dma_start3A_126] : memref<8x3072x768xf32, #tpu.memory_space<hbm>> -> memref<1x768x768xf32, #tpu.memory_space<hbm>>
    %dma_start3A_128 = tpu.memref_squeeze %dma_start3A_127 : memref<1x768x768xf32, #tpu.memory_space<hbm>> -> memref<768x768xf32, #tpu.memory_space<hbm>>
    tpu.enqueue_dma source(%arg9 : memref<768x768xf32, #tpu.memory_space<vmem>>) target(%dma_start3A_128 : memref<768x768xf32, #tpu.memory_space<hbm>>) target_semaphore(%arg21 : memref<!tpu.dma_semaphore, #tpu.memory_space<semaphore_mem>>)
    %get3A_129 = arith.constant 0 : index
    %get3A_130 = memref.load %arg1[%get3A_129] : memref<8xi32, #tpu.memory_space<smem>>
    %dma_wait3A_131 = arith.constant 1536 : i32
    %dma_wait3A_132 = arith.constant 0 : i32
    %dma_wait3A_133 = tpu.memref_slice %arg3[%get3A_130, %dma_wait3A_131, %dma_wait3A_132] : memref<8x3072x768xf32, #tpu.memory_space<hbm>> -> memref<1x768x768xf32, #tpu.memory_space<hbm>>
    %dma_wait3A_134 = tpu.memref_squeeze %dma_wait3A_133 : memref<1x768x768xf32, #tpu.memory_space<hbm>> -> memref<768x768xf32, #tpu.memory_space<hbm>>
    tpu.wait_dma2 semaphore(%arg18 : memref<!tpu.dma_semaphore, #tpu.memory_space<semaphore_mem>>) src(%arg6 : memref<768x768xf32, #tpu.memory_space<vmem>>) dst(%dma_wait3A_134 : memref<768x768xf32, #tpu.memory_space<hbm>>)
    %get3A_135 = arith.constant 2 : index
    %get3A_136 = memref.load %arg0[%get3A_135] : memref<8xi32, #tpu.memory_space<smem>>
    %dma_start3A_137 = arith.constant 0 : i32
    %dma_start3A_138 = arith.constant 0 : i32
    %dma_start3A_139 = tpu.memref_slice %arg2[%get3A_136, %dma_start3A_137, %dma_start3A_138] : memref<16x3072x768xf32, #tpu.memory_space<hbm>> -> memref<1x768x768xf32, #tpu.memory_space<hbm>>
    %dma_start3A_140 = tpu.memref_squeeze %dma_start3A_139 : memref<1x768x768xf32, #tpu.memory_space<hbm>> -> memref<768x768xf32, #tpu.memory_space<hbm>>
    tpu.enqueue_dma source(%dma_start3A_140 : memref<768x768xf32, #tpu.memory_space<hbm>>) target(%arg6 : memref<768x768xf32, #tpu.memory_space<vmem>>) target_semaphore(%arg12 : memref<!tpu.dma_semaphore, #tpu.memory_space<semaphore_mem>>)
    %get3A_141 = arith.constant 1 : index
    %get3A_142 = memref.load %arg0[%get3A_141] : memref<8xi32, #tpu.memory_space<smem>>
    %dma_wait3A_143 = arith.constant 1536 : i32
    %dma_wait3A_144 = arith.constant 0 : i32
    %dma_wait3A_145 = tpu.memref_slice %arg2[%get3A_142, %dma_wait3A_143, %dma_wait3A_144] : memref<16x3072x768xf32, #tpu.memory_space<hbm>> -> memref<1x768x768xf32, #tpu.memory_space<hbm>>
    %dma_wait3A_146 = tpu.memref_squeeze %dma_wait3A_145 : memref<1x768x768xf32, #tpu.memory_space<hbm>> -> memref<768x768xf32, #tpu.memory_space<hbm>>
    tpu.wait_dma2 semaphore(%arg10 : memref<!tpu.dma_semaphore, #tpu.memory_space<semaphore_mem>>) src(%dma_wait3A_146 : memref<768x768xf32, #tpu.memory_space<hbm>>) dst(%arg4 : memref<768x768xf32, #tpu.memory_space<vmem>>)
    %get3A_147 = arith.constant 1 : index
    %get3A_148 = memref.load %arg1[%get3A_147] : memref<8xi32, #tpu.memory_space<smem>>
    %dma_start3A_149 = arith.constant 1536 : i32
    %dma_start3A_150 = arith.constant 0 : i32
    %dma_start3A_151 = tpu.memref_slice %arg3[%get3A_148, %dma_start3A_149, %dma_start3A_150] : memref<8x3072x768xf32, #tpu.memory_space<hbm>> -> memref<1x768x768xf32, #tpu.memory_space<hbm>>
    %dma_start3A_152 = tpu.memref_squeeze %dma_start3A_151 : memref<1x768x768xf32, #tpu.memory_space<hbm>> -> memref<768x768xf32, #tpu.memory_space<hbm>>
    tpu.enqueue_dma source(%arg4 : memref<768x768xf32, #tpu.memory_space<vmem>>) target(%dma_start3A_152 : memref<768x768xf32, #tpu.memory_space<hbm>>) target_semaphore(%arg16 : memref<!tpu.dma_semaphore, #tpu.memory_space<semaphore_mem>>)
    %get3A_153 = arith.constant 0 : index
    %get3A_154 = memref.load %arg1[%get3A_153] : memref<8xi32, #tpu.memory_space<smem>>
    %dma_wait3A_155 = arith.constant 2304 : i32
    %dma_wait3A_156 = arith.constant 0 : i32
    %dma_wait3A_157 = tpu.memref_slice %arg3[%get3A_154, %dma_wait3A_155, %dma_wait3A_156] : memref<8x3072x768xf32, #tpu.memory_space<hbm>> -> memref<1x768x768xf32, #tpu.memory_space<hbm>>
    %dma_wait3A_158 = tpu.memref_squeeze %dma_wait3A_157 : memref<1x768x768xf32, #tpu.memory_space<hbm>> -> memref<768x768xf32, #tpu.memory_space<hbm>>
    tpu.wait_dma2 semaphore(%arg19 : memref<!tpu.dma_semaphore, #tpu.memory_space<semaphore_mem>>) src(%arg7 : memref<768x768xf32, #tpu.memory_space<vmem>>) dst(%dma_wait3A_158 : memref<768x768xf32, #tpu.memory_space<hbm>>)
    %get3A_159 = arith.constant 2 : index
    %get3A_160 = memref.load %arg0[%get3A_159] : memref<8xi32, #tpu.memory_space<smem>>
    %dma_start3A_161 = arith.constant 768 : i32
    %dma_start3A_162 = arith.constant 0 : i32
    %dma_start3A_163 = tpu.memref_slice %arg2[%get3A_160, %dma_start3A_161, %dma_start3A_162] : memref<16x3072x768xf32, #tpu.memory_space<hbm>> -> memref<1x768x768xf32, #tpu.memory_space<hbm>>
    %dma_start3A_164 = tpu.memref_squeeze %dma_start3A_163 : memref<1x768x768xf32, #tpu.memory_space<hbm>> -> memref<768x768xf32, #tpu.memory_space<hbm>>
    tpu.enqueue_dma source(%dma_start3A_164 : memref<768x768xf32, #tpu.memory_space<hbm>>) target(%arg7 : memref<768x768xf32, #tpu.memory_space<vmem>>) target_semaphore(%arg13 : memref<!tpu.dma_semaphore, #tpu.memory_space<semaphore_mem>>)
    %get3A_165 = arith.constant 1 : index
    %get3A_166 = memref.load %arg0[%get3A_165] : memref<8xi32, #tpu.memory_space<smem>>
    %dma_wait3A_167 = arith.constant 2304 : i32
    %dma_wait3A_168 = arith.constant 0 : i32
    %dma_wait3A_169 = tpu.memref_slice %arg2[%get3A_166, %dma_wait3A_167, %dma_wait3A_168] : memref<16x3072x768xf32, #tpu.memory_space<hbm>> -> memref<1x768x768xf32, #tpu.memory_space<hbm>>
    %dma_wait3A_170 = tpu.memref_squeeze %dma_wait3A_169 : memref<1x768x768xf32, #tpu.memory_space<hbm>> -> memref<768x768xf32, #tpu.memory_space<hbm>>
    tpu.wait_dma2 semaphore(%arg11 : memref<!tpu.dma_semaphore, #tpu.memory_space<semaphore_mem>>) src(%dma_wait3A_170 : memref<768x768xf32, #tpu.memory_space<hbm>>) dst(%arg5 : memref<768x768xf32, #tpu.memory_space<vmem>>)
    %get3A_171 = arith.constant 1 : index
    %get3A_172 = memref.load %arg1[%get3A_171] : memref<8xi32, #tpu.memory_space<smem>>
    %dma_start3A_173 = arith.constant 2304 : i32
    %dma_start3A_174 = arith.constant 0 : i32
    %dma_start3A_175 = tpu.memref_slice %arg3[%get3A_172, %dma_start3A_173, %dma_start3A_174] : memref<8x3072x768xf32, #tpu.memory_space<hbm>> -> memref<1x768x768xf32, #tpu.memory_space<hbm>>
    %dma_start3A_176 = tpu.memref_squeeze %dma_start3A_175 : memref<1x768x768xf32, #tpu.memory_space<hbm>> -> memref<768x768xf32, #tpu.memory_space<hbm>>
    tpu.enqueue_dma source(%arg5 : memref<768x768xf32, #tpu.memory_space<vmem>>) target(%dma_start3A_176 : memref<768x768xf32, #tpu.memory_space<hbm>>) target_semaphore(%arg17 : memref<!tpu.dma_semaphore, #tpu.memory_space<semaphore_mem>>)
    %get3A_177 = arith.constant 1 : index
    %get3A_178 = memref.load %arg1[%get3A_177] : memref<8xi32, #tpu.memory_space<smem>>
    %dma_wait3A_179 = arith.constant 0 : i32
    %dma_wait3A_180 = arith.constant 0 : i32
    %dma_wait3A_181 = tpu.memref_slice %arg3[%get3A_178, %dma_wait3A_179, %dma_wait3A_180] : memref<8x3072x768xf32, #tpu.memory_space<hbm>> -> memref<1x768x768xf32, #tpu.memory_space<hbm>>
    %dma_wait3A_182 = tpu.memref_squeeze %dma_wait3A_181 : memref<1x768x768xf32, #tpu.memory_space<hbm>> -> memref<768x768xf32, #tpu.memory_space<hbm>>
    tpu.wait_dma2 semaphore(%arg20 : memref<!tpu.dma_semaphore, #tpu.memory_space<semaphore_mem>>) src(%arg8 : memref<768x768xf32, #tpu.memory_space<vmem>>) dst(%dma_wait3A_182 : memref<768x768xf32, #tpu.memory_space<hbm>>)
    %get3A_183 = arith.constant 2 : index
    %get3A_184 = memref.load %arg0[%get3A_183] : memref<8xi32, #tpu.memory_space<smem>>
    %dma_start3A_185 = arith.constant 1536 : i32
    %dma_start3A_186 = arith.constant 0 : i32
    %dma_start3A_187 = tpu.memref_slice %arg2[%get3A_184, %dma_start3A_185, %dma_start3A_186] : memref<16x3072x768xf32, #tpu.memory_space<hbm>> -> memref<1x768x768xf32, #tpu.memory_space<hbm>>
    %dma_start3A_188 = tpu.memref_squeeze %dma_start3A_187 : memref<1x768x768xf32, #tpu.memory_space<hbm>> -> memref<768x768xf32, #tpu.memory_space<hbm>>
    tpu.enqueue_dma source(%dma_start3A_188 : memref<768x768xf32, #tpu.memory_space<hbm>>) target(%arg8 : memref<768x768xf32, #tpu.memory_space<vmem>>) target_semaphore(%arg14 : memref<!tpu.dma_semaphore, #tpu.memory_space<semaphore_mem>>)
    %get3A_189 = arith.constant 2 : index
    %get3A_190 = memref.load %arg0[%get3A_189] : memref<8xi32, #tpu.memory_space<smem>>
    %dma_wait3A_191 = arith.constant 0 : i32
    %dma_wait3A_192 = arith.constant 0 : i32
    %dma_wait3A_193 = tpu.memref_slice %arg2[%get3A_190, %dma_wait3A_191, %dma_wait3A_192] : memref<16x3072x768xf32, #tpu.memory_space<hbm>> -> memref<1x768x768xf32, #tpu.memory_space<hbm>>
    %dma_wait3A_194 = tpu.memref_squeeze %dma_wait3A_193 : memref<1x768x768xf32, #tpu.memory_space<hbm>> -> memref<768x768xf32, #tpu.memory_space<hbm>>
    tpu.wait_dma2 semaphore(%arg12 : memref<!tpu.dma_semaphore, #tpu.memory_space<semaphore_mem>>) src(%dma_wait3A_194 : memref<768x768xf32, #tpu.memory_space<hbm>>) dst(%arg6 : memref<768x768xf32, #tpu.memory_space<vmem>>)
    %get3A_195 = arith.constant 2 : index
    %get3A_196 = memref.load %arg1[%get3A_195] : memref<8xi32, #tpu.memory_space<smem>>
    %dma_start3A_197 = arith.constant 0 : i32
    %dma_start3A_198 = arith.constant 0 : i32
    %dma_start3A_199 = tpu.memref_slice %arg3[%get3A_196, %dma_start3A_197, %dma_start3A_198] : memref<8x3072x768xf32, #tpu.memory_space<hbm>> -> memref<1x768x768xf32, #tpu.memory_space<hbm>>
    %dma_start3A_200 = tpu.memref_squeeze %dma_start3A_199 : memref<1x768x768xf32, #tpu.memory_space<hbm>> -> memref<768x768xf32, #tpu.memory_space<hbm>>
    tpu.enqueue_dma source(%arg6 : memref<768x768xf32, #tpu.memory_space<vmem>>) target(%dma_start3A_200 : memref<768x768xf32, #tpu.memory_space<hbm>>) target_semaphore(%arg18 : memref<!tpu.dma_semaphore, #tpu.memory_space<semaphore_mem>>)
    %get3A_201 = arith.constant 1 : index
    %get3A_202 = memref.load %arg1[%get3A_201] : memref<8xi32, #tpu.memory_space<smem>>
    %dma_wait3A_203 = arith.constant 768 : i32
    %dma_wait3A_204 = arith.constant 0 : i32
    %dma_wait3A_205 = tpu.memref_slice %arg3[%get3A_202, %dma_wait3A_203, %dma_wait3A_204] : memref<8x3072x768xf32, #tpu.memory_space<hbm>> -> memref<1x768x768xf32, #tpu.memory_space<hbm>>
    %dma_wait3A_206 = tpu.memref_squeeze %dma_wait3A_205 : memref<1x768x768xf32, #tpu.memory_space<hbm>> -> memref<768x768xf32, #tpu.memory_space<hbm>>
    tpu.wait_dma2 semaphore(%arg21 : memref<!tpu.dma_semaphore, #tpu.memory_space<semaphore_mem>>) src(%arg9 : memref<768x768xf32, #tpu.memory_space<vmem>>) dst(%dma_wait3A_206 : memref<768x768xf32, #tpu.memory_space<hbm>>)
    %get3A_207 = arith.constant 2 : index
    %get3A_208 = memref.load %arg0[%get3A_207] : memref<8xi32, #tpu.memory_space<smem>>
    %dma_start3A_209 = arith.constant 2304 : i32
    %dma_start3A_210 = arith.constant 0 : i32
    %dma_start3A_211 = tpu.memref_slice %arg2[%get3A_208, %dma_start3A_209, %dma_start3A_210] : memref<16x3072x768xf32, #tpu.memory_space<hbm>> -> memref<1x768x768xf32, #tpu.memory_space<hbm>>
    %dma_start3A_212 = tpu.memref_squeeze %dma_start3A_211 : memref<1x768x768xf32, #tpu.memory_space<hbm>> -> memref<768x768xf32, #tpu.memory_space<hbm>>
    tpu.enqueue_dma source(%dma_start3A_212 : memref<768x768xf32, #tpu.memory_space<hbm>>) target(%arg9 : memref<768x768xf32, #tpu.memory_space<vmem>>) target_semaphore(%arg15 : memref<!tpu.dma_semaphore, #tpu.memory_space<semaphore_mem>>)
    %get3A_213 = arith.constant 2 : index
    %get3A_214 = memref.load %arg0[%get3A_213] : memref<8xi32, #tpu.memory_space<smem>>
    %dma_wait3A_215 = arith.constant 768 : i32
    %dma_wait3A_216 = arith.constant 0 : i32
    %dma_wait3A_217 = tpu.memref_slice %arg2[%get3A_214, %dma_wait3A_215, %dma_wait3A_216] : memref<16x3072x768xf32, #tpu.memory_space<hbm>> -> memref<1x768x768xf32, #tpu.memory_space<hbm>>
    %dma_wait3A_218 = tpu.memref_squeeze %dma_wait3A_217 : memref<1x768x768xf32, #tpu.memory_space<hbm>> -> memref<768x768xf32, #tpu.memory_space<hbm>>
    tpu.wait_dma2 semaphore(%arg13 : memref<!tpu.dma_semaphore, #tpu.memory_space<semaphore_mem>>) src(%dma_wait3A_218 : memref<768x768xf32, #tpu.memory_space<hbm>>) dst(%arg7 : memref<768x768xf32, #tpu.memory_space<vmem>>)
    %get3A_219 = arith.constant 2 : index
    %get3A_220 = memref.load %arg1[%get3A_219] : memref<8xi32, #tpu.memory_space<smem>>
    %dma_start3A_221 = arith.constant 768 : i32
    %dma_start3A_222 = arith.constant 0 : i32
    %dma_start3A_223 = tpu.memref_slice %arg3[%get3A_220, %dma_start3A_221, %dma_start3A_222] : memref<8x3072x768xf32, #tpu.memory_space<hbm>> -> memref<1x768x768xf32, #tpu.memory_space<hbm>>
    %dma_start3A_224 = tpu.memref_squeeze %dma_start3A_223 : memref<1x768x768xf32, #tpu.memory_space<hbm>> -> memref<768x768xf32, #tpu.memory_space<hbm>>
    tpu.enqueue_dma source(%arg7 : memref<768x768xf32, #tpu.memory_space<vmem>>) target(%dma_start3A_224 : memref<768x768xf32, #tpu.memory_space<hbm>>) target_semaphore(%arg19 : memref<!tpu.dma_semaphore, #tpu.memory_space<semaphore_mem>>)
    %get3A_225 = arith.constant 1 : index
    %get3A_226 = memref.load %arg1[%get3A_225] : memref<8xi32, #tpu.memory_space<smem>>
    %dma_wait3A_227 = arith.constant 1536 : i32
    %dma_wait3A_228 = arith.constant 0 : i32
    %dma_wait3A_229 = tpu.memref_slice %arg3[%get3A_226, %dma_wait3A_227, %dma_wait3A_228] : memref<8x3072x768xf32, #tpu.memory_space<hbm>> -> memref<1x768x768xf32, #tpu.memory_space<hbm>>
    %dma_wait3A_230 = tpu.memref_squeeze %dma_wait3A_229 : memref<1x768x768xf32, #tpu.memory_space<hbm>> -> memref<768x768xf32, #tpu.memory_space<hbm>>
    tpu.wait_dma2 semaphore(%arg16 : memref<!tpu.dma_semaphore, #tpu.memory_space<semaphore_mem>>) src(%arg4 : memref<768x768xf32, #tpu.memory_space<vmem>>) dst(%dma_wait3A_230 : memref<768x768xf32, #tpu.memory_space<hbm>>)
    %get3A_231 = arith.constant 3 : index
    %get3A_232 = memref.load %arg0[%get3A_231] : memref<8xi32, #tpu.memory_space<smem>>
    %dma_start3A_233 = arith.constant 0 : i32
    %dma_start3A_234 = arith.constant 0 : i32
    %dma_start3A_235 = tpu.memref_slice %arg2[%get3A_232, %dma_start3A_233, %dma_start3A_234] : memref<16x3072x768xf32, #tpu.memory_space<hbm>> -> memref<1x768x768xf32, #tpu.memory_space<hbm>>
    %dma_start3A_236 = tpu.memref_squeeze %dma_start3A_235 : memref<1x768x768xf32, #tpu.memory_space<hbm>> -> memref<768x768xf32, #tpu.memory_space<hbm>>
    tpu.enqueue_dma source(%dma_start3A_236 : memref<768x768xf32, #tpu.memory_space<hbm>>) target(%arg4 : memref<768x768xf32, #tpu.memory_space<vmem>>) target_semaphore(%arg10 : memref<!tpu.dma_semaphore, #tpu.memory_space<semaphore_mem>>)
    %get3A_237 = arith.constant 2 : index
    %get3A_238 = memref.load %arg0[%get3A_237] : memref<8xi32, #tpu.memory_space<smem>>
    %dma_wait3A_239 = arith.constant 1536 : i32
    %dma_wait3A_240 = arith.constant 0 : i32
    %dma_wait3A_241 = tpu.memref_slice %arg2[%get3A_238, %dma_wait3A_239, %dma_wait3A_240] : memref<16x3072x768xf32, #tpu.memory_space<hbm>> -> memref<1x768x768xf32, #tpu.memory_space<hbm>>
    %dma_wait3A_242 = tpu.memref_squeeze %dma_wait3A_241 : memref<1x768x768xf32, #tpu.memory_space<hbm>> -> memref<768x768xf32, #tpu.memory_space<hbm>>
    tpu.wait_dma2 semaphore(%arg14 : memref<!tpu.dma_semaphore, #tpu.memory_space<semaphore_mem>>) src(%dma_wait3A_242 : memref<768x768xf32, #tpu.memory_space<hbm>>) dst(%arg8 : memref<768x768xf32, #tpu.memory_space<vmem>>)
    %get3A_243 = arith.constant 2 : index
    %get3A_244 = memref.load %arg1[%get3A_243] : memref<8xi32, #tpu.memory_space<smem>>
    %dma_start3A_245 = arith.constant 1536 : i32
    %dma_start3A_246 = arith.constant 0 : i32
    %dma_start3A_247 = tpu.memref_slice %arg3[%get3A_244, %dma_start3A_245, %dma_start3A_246] : memref<8x3072x768xf32, #tpu.memory_space<hbm>> -> memref<1x768x768xf32, #tpu.memory_space<hbm>>
    %dma_start3A_248 = tpu.memref_squeeze %dma_start3A_247 : memref<1x768x768xf32, #tpu.memory_space<hbm>> -> memref<768x768xf32, #tpu.memory_space<hbm>>
    tpu.enqueue_dma source(%arg8 : memref<768x768xf32, #tpu.memory_space<vmem>>) target(%dma_start3A_248 : memref<768x768xf32, #tpu.memory_space<hbm>>) target_semaphore(%arg20 : memref<!tpu.dma_semaphore, #tpu.memory_space<semaphore_mem>>)
    %get3A_249 = arith.constant 1 : index
    %get3A_250 = memref.load %arg1[%get3A_249] : memref<8xi32, #tpu.memory_space<smem>>
    %dma_wait3A_251 = arith.constant 2304 : i32
    %dma_wait3A_252 = arith.constant 0 : i32
    %dma_wait3A_253 = tpu.memref_slice %arg3[%get3A_250, %dma_wait3A_251, %dma_wait3A_252] : memref<8x3072x768xf32, #tpu.memory_space<hbm>> -> memref<1x768x768xf32, #tpu.memory_space<hbm>>
    %dma_wait3A_254 = tpu.memref_squeeze %dma_wait3A_253 : memref<1x768x768xf32, #tpu.memory_space<hbm>> -> memref<768x768xf32, #tpu.memory_space<hbm>>
    tpu.wait_dma2 semaphore(%arg17 : memref<!tpu.dma_semaphore, #tpu.memory_space<semaphore_mem>>) src(%arg5 : memref<768x768xf32, #tpu.memory_space<vmem>>) dst(%dma_wait3A_254 : memref<768x768xf32, #tpu.memory_space<hbm>>)
    %get3A_255 = arith.constant 3 : index
    %get3A_256 = memref.load %arg0[%get3A_255] : memref<8xi32, #tpu.memory_space<smem>>
    %dma_start3A_257 = arith.constant 768 : i32
    %dma_start3A_258 = arith.constant 0 : i32
    %dma_start3A_259 = tpu.memref_slice %arg2[%get3A_256, %dma_start3A_257, %dma_start3A_258] : memref<16x3072x768xf32, #tpu.memory_space<hbm>> -> memref<1x768x768xf32, #tpu.memory_space<hbm>>
    %dma_start3A_260 = tpu.memref_squeeze %dma_start3A_259 : memref<1x768x768xf32, #tpu.memory_space<hbm>> -> memref<768x768xf32, #tpu.memory_space<hbm>>
    tpu.enqueue_dma source(%dma_start3A_260 : memref<768x768xf32, #tpu.memory_space<hbm>>) target(%arg5 : memref<768x768xf32, #tpu.memory_space<vmem>>) target_semaphore(%arg11 : memref<!tpu.dma_semaphore, #tpu.memory_space<semaphore_mem>>)
    %get3A_261 = arith.constant 2 : index
    %get3A_262 = memref.load %arg0[%get3A_261] : memref<8xi32, #tpu.memory_space<smem>>
    %dma_wait3A_263 = arith.constant 2304 : i32
    %dma_wait3A_264 = arith.constant 0 : i32
    %dma_wait3A_265 = tpu.memref_slice %arg2[%get3A_262, %dma_wait3A_263, %dma_wait3A_264] : memref<16x3072x768xf32, #tpu.memory_space<hbm>> -> memref<1x768x768xf32, #tpu.memory_space<hbm>>
    %dma_wait3A_266 = tpu.memref_squeeze %dma_wait3A_265 : memref<1x768x768xf32, #tpu.memory_space<hbm>> -> memref<768x768xf32, #tpu.memory_space<hbm>>
    tpu.wait_dma2 semaphore(%arg15 : memref<!tpu.dma_semaphore, #tpu.memory_space<semaphore_mem>>) src(%dma_wait3A_266 : memref<768x768xf32, #tpu.memory_space<hbm>>) dst(%arg9 : memref<768x768xf32, #tpu.memory_space<vmem>>)
    %get3A_267 = arith.constant 2 : index
    %get3A_268 = memref.load %arg1[%get3A_267] : memref<8xi32, #tpu.memory_space<smem>>
    %dma_start3A_269 = arith.constant 2304 : i32
    %dma_start3A_270 = arith.constant 0 : i32
    %dma_start3A_271 = tpu.memref_slice %arg3[%get3A_268, %dma_start3A_269, %dma_start3A_270] : memref<8x3072x768xf32, #tpu.memory_space<hbm>> -> memref<1x768x768xf32, #tpu.memory_space<hbm>>
    %dma_start3A_272 = tpu.memref_squeeze %dma_start3A_271 : memref<1x768x768xf32, #tpu.memory_space<hbm>> -> memref<768x768xf32, #tpu.memory_space<hbm>>
    tpu.enqueue_dma source(%arg9 : memref<768x768xf32, #tpu.memory_space<vmem>>) target(%dma_start3A_272 : memref<768x768xf32, #tpu.memory_space<hbm>>) target_semaphore(%arg21 : memref<!tpu.dma_semaphore, #tpu.memory_space<semaphore_mem>>)
    %get3A_273 = arith.constant 2 : index
    %get3A_274 = memref.load %arg1[%get3A_273] : memref<8xi32, #tpu.memory_space<smem>>
    %dma_wait3A_275 = arith.constant 0 : i32
    %dma_wait3A_276 = arith.constant 0 : i32
    %dma_wait3A_277 = tpu.memref_slice %arg3[%get3A_274, %dma_wait3A_275, %dma_wait3A_276] : memref<8x3072x768xf32, #tpu.memory_space<hbm>> -> memref<1x768x768xf32, #tpu.memory_space<hbm>>
    %dma_wait3A_278 = tpu.memref_squeeze %dma_wait3A_277 : memref<1x768x768xf32, #tpu.memory_space<hbm>> -> memref<768x768xf32, #tpu.memory_space<hbm>>
    tpu.wait_dma2 semaphore(%arg18 : memref<!tpu.dma_semaphore, #tpu.memory_space<semaphore_mem>>) src(%arg6 : memref<768x768xf32, #tpu.memory_space<vmem>>) dst(%dma_wait3A_278 : memref<768x768xf32, #tpu.memory_space<hbm>>)
    %get3A_279 = arith.constant 3 : index
    %get3A_280 = memref.load %arg0[%get3A_279] : memref<8xi32, #tpu.memory_space<smem>>
    %dma_start3A_281 = arith.constant 1536 : i32
    %dma_start3A_282 = arith.constant 0 : i32
    %dma_start3A_283 = tpu.memref_slice %arg2[%get3A_280, %dma_start3A_281, %dma_start3A_282] : memref<16x3072x768xf32, #tpu.memory_space<hbm>> -> memref<1x768x768xf32, #tpu.memory_space<hbm>>
    %dma_start3A_284 = tpu.memref_squeeze %dma_start3A_283 : memref<1x768x768xf32, #tpu.memory_space<hbm>> -> memref<768x768xf32, #tpu.memory_space<hbm>>
    tpu.enqueue_dma source(%dma_start3A_284 : memref<768x768xf32, #tpu.memory_space<hbm>>) target(%arg6 : memref<768x768xf32, #tpu.memory_space<vmem>>) target_semaphore(%arg12 : memref<!tpu.dma_semaphore, #tpu.memory_space<semaphore_mem>>)
    %get3A_285 = arith.constant 3 : index
    %get3A_286 = memref.load %arg0[%get3A_285] : memref<8xi32, #tpu.memory_space<smem>>
    %dma_wait3A_287 = arith.constant 0 : i32
    %dma_wait3A_288 = arith.constant 0 : i32
    %dma_wait3A_289 = tpu.memref_slice %arg2[%get3A_286, %dma_wait3A_287, %dma_wait3A_288] : memref<16x3072x768xf32, #tpu.memory_space<hbm>> -> memref<1x768x768xf32, #tpu.memory_space<hbm>>
    %dma_wait3A_290 = tpu.memref_squeeze %dma_wait3A_289 : memref<1x768x768xf32, #tpu.memory_space<hbm>> -> memref<768x768xf32, #tpu.memory_space<hbm>>
    tpu.wait_dma2 semaphore(%arg10 : memref<!tpu.dma_semaphore, #tpu.memory_space<semaphore_mem>>) src(%dma_wait3A_290 : memref<768x768xf32, #tpu.memory_space<hbm>>) dst(%arg4 : memref<768x768xf32, #tpu.memory_space<vmem>>)
    %get3A_291 = arith.constant 3 : index
    %get3A_292 = memref.load %arg1[%get3A_291] : memref<8xi32, #tpu.memory_space<smem>>
    %dma_start3A_293 = arith.constant 0 : i32
    %dma_start3A_294 = arith.constant 0 : i32
    %dma_start3A_295 = tpu.memref_slice %arg3[%get3A_292, %dma_start3A_293, %dma_start3A_294] : memref<8x3072x768xf32, #tpu.memory_space<hbm>> -> memref<1x768x768xf32, #tpu.memory_space<hbm>>
    %dma_start3A_296 = tpu.memref_squeeze %dma_start3A_295 : memref<1x768x768xf32, #tpu.memory_space<hbm>> -> memref<768x768xf32, #tpu.memory_space<hbm>>
    tpu.enqueue_dma source(%arg4 : memref<768x768xf32, #tpu.memory_space<vmem>>) target(%dma_start3A_296 : memref<768x768xf32, #tpu.memory_space<hbm>>) target_semaphore(%arg16 : memref<!tpu.dma_semaphore, #tpu.memory_space<semaphore_mem>>)
    %get3A_297 = arith.constant 2 : index
    %get3A_298 = memref.load %arg1[%get3A_297] : memref<8xi32, #tpu.memory_space<smem>>
    %dma_wait3A_299 = arith.constant 768 : i32
    %dma_wait3A_300 = arith.constant 0 : i32
    %dma_wait3A_301 = tpu.memref_slice %arg3[%get3A_298, %dma_wait3A_299, %dma_wait3A_300] : memref<8x3072x768xf32, #tpu.memory_space<hbm>> -> memref<1x768x768xf32, #tpu.memory_space<hbm>>
    %dma_wait3A_302 = tpu.memref_squeeze %dma_wait3A_301 : memref<1x768x768xf32, #tpu.memory_space<hbm>> -> memref<768x768xf32, #tpu.memory_space<hbm>>
    tpu.wait_dma2 semaphore(%arg19 : memref<!tpu.dma_semaphore, #tpu.memory_space<semaphore_mem>>) src(%arg7 : memref<768x768xf32, #tpu.memory_space<vmem>>) dst(%dma_wait3A_302 : memref<768x768xf32, #tpu.memory_space<hbm>>)
    %get3A_303 = arith.constant 3 : index
    %get3A_304 = memref.load %arg0[%get3A_303] : memref<8xi32, #tpu.memory_space<smem>>
    %dma_start3A_305 = arith.constant 2304 : i32
    %dma_start3A_306 = arith.constant 0 : i32
    %dma_start3A_307 = tpu.memref_slice %arg2[%get3A_304, %dma_start3A_305, %dma_start3A_306] : memref<16x3072x768xf32, #tpu.memory_space<hbm>> -> memref<1x768x768xf32, #tpu.memory_space<hbm>>
    %dma_start3A_308 = tpu.memref_squeeze %dma_start3A_307 : memref<1x768x768xf32, #tpu.memory_space<hbm>> -> memref<768x768xf32, #tpu.memory_space<hbm>>
    tpu.enqueue_dma source(%dma_start3A_308 : memref<768x768xf32, #tpu.memory_space<hbm>>) target(%arg7 : memref<768x768xf32, #tpu.memory_space<vmem>>) target_semaphore(%arg13 : memref<!tpu.dma_semaphore, #tpu.memory_space<semaphore_mem>>)
    %get3A_309 = arith.constant 3 : index
    %get3A_310 = memref.load %arg0[%get3A_309] : memref<8xi32, #tpu.memory_space<smem>>
    %dma_wait3A_311 = arith.constant 768 : i32
    %dma_wait3A_312 = arith.constant 0 : i32
    %dma_wait3A_313 = tpu.memref_slice %arg2[%get3A_310, %dma_wait3A_311, %dma_wait3A_312] : memref<16x3072x768xf32, #tpu.memory_space<hbm>> -> memref<1x768x768xf32, #tpu.memory_space<hbm>>
    %dma_wait3A_314 = tpu.memref_squeeze %dma_wait3A_313 : memref<1x768x768xf32, #tpu.memory_space<hbm>> -> memref<768x768xf32, #tpu.memory_space<hbm>>
    tpu.wait_dma2 semaphore(%arg11 : memref<!tpu.dma_semaphore, #tpu.memory_space<semaphore_mem>>) src(%dma_wait3A_314 : memref<768x768xf32, #tpu.memory_space<hbm>>) dst(%arg5 : memref<768x768xf32, #tpu.memory_space<vmem>>)
    %get3A_315 = arith.constant 3 : index
    %get3A_316 = memref.load %arg1[%get3A_315] : memref<8xi32, #tpu.memory_space<smem>>
    %dma_start3A_317 = arith.constant 768 : i32
    %dma_start3A_318 = arith.constant 0 : i32
    %dma_start3A_319 = tpu.memref_slice %arg3[%get3A_316, %dma_start3A_317, %dma_start3A_318] : memref<8x3072x768xf32, #tpu.memory_space<hbm>> -> memref<1x768x768xf32, #tpu.memory_space<hbm>>
    %dma_start3A_320 = tpu.memref_squeeze %dma_start3A_319 : memref<1x768x768xf32, #tpu.memory_space<hbm>> -> memref<768x768xf32, #tpu.memory_space<hbm>>
    tpu.enqueue_dma source(%arg5 : memref<768x768xf32, #tpu.memory_space<vmem>>) target(%dma_start3A_320 : memref<768x768xf32, #tpu.memory_space<hbm>>) target_semaphore(%arg17 : memref<!tpu.dma_semaphore, #tpu.memory_space<semaphore_mem>>)
    %get3A_321 = arith.constant 2 : index
    %get3A_322 = memref.load %arg1[%get3A_321] : memref<8xi32, #tpu.memory_space<smem>>
    %dma_wait3A_323 = arith.constant 1536 : i32
    %dma_wait3A_324 = arith.constant 0 : i32
    %dma_wait3A_325 = tpu.memref_slice %arg3[%get3A_322, %dma_wait3A_323, %dma_wait3A_324] : memref<8x3072x768xf32, #tpu.memory_space<hbm>> -> memref<1x768x768xf32, #tpu.memory_space<hbm>>
    %dma_wait3A_326 = tpu.memref_squeeze %dma_wait3A_325 : memref<1x768x768xf32, #tpu.memory_space<hbm>> -> memref<768x768xf32, #tpu.memory_space<hbm>>
    tpu.wait_dma2 semaphore(%arg20 : memref<!tpu.dma_semaphore, #tpu.memory_space<semaphore_mem>>) src(%arg8 : memref<768x768xf32, #tpu.memory_space<vmem>>) dst(%dma_wait3A_326 : memref<768x768xf32, #tpu.memory_space<hbm>>)
    %get3A_327 = arith.constant 4 : index
    %get3A_328 = memref.load %arg0[%get3A_327] : memref<8xi32, #tpu.memory_space<smem>>
    %dma_start3A_329 = arith.constant 0 : i32
    %dma_start3A_330 = arith.constant 0 : i32
    %dma_start3A_331 = tpu.memref_slice %arg2[%get3A_328, %dma_start3A_329, %dma_start3A_330] : memref<16x3072x768xf32, #tpu.memory_space<hbm>> -> memref<1x768x768xf32, #tpu.memory_space<hbm>>
    %dma_start3A_332 = tpu.memref_squeeze %dma_start3A_331 : memref<1x768x768xf32, #tpu.memory_space<hbm>> -> memref<768x768xf32, #tpu.memory_space<hbm>>
    tpu.enqueue_dma source(%dma_start3A_332 : memref<768x768xf32, #tpu.memory_space<hbm>>) target(%arg8 : memref<768x768xf32, #tpu.memory_space<vmem>>) target_semaphore(%arg14 : memref<!tpu.dma_semaphore, #tpu.memory_space<semaphore_mem>>)
    %get3A_333 = arith.constant 3 : index
    %get3A_334 = memref.load %arg0[%get3A_333] : memref<8xi32, #tpu.memory_space<smem>>
    %dma_wait3A_335 = arith.constant 1536 : i32
    %dma_wait3A_336 = arith.constant 0 : i32
    %dma_wait3A_337 = tpu.memref_slice %arg2[%get3A_334, %dma_wait3A_335, %dma_wait3A_336] : memref<16x3072x768xf32, #tpu.memory_space<hbm>> -> memref<1x768x768xf32, #tpu.memory_space<hbm>>
    %dma_wait3A_338 = tpu.memref_squeeze %dma_wait3A_337 : memref<1x768x768xf32, #tpu.memory_space<hbm>> -> memref<768x768xf32, #tpu.memory_space<hbm>>
    tpu.wait_dma2 semaphore(%arg12 : memref<!tpu.dma_semaphore, #tpu.memory_space<semaphore_mem>>) src(%dma_wait3A_338 : memref<768x768xf32, #tpu.memory_space<hbm>>) dst(%arg6 : memref<768x768xf32, #tpu.memory_space<vmem>>)
    %get3A_339 = arith.constant 3 : index
    %get3A_340 = memref.load %arg1[%get3A_339] : memref<8xi32, #tpu.memory_space<smem>>
    %dma_start3A_341 = arith.constant 1536 : i32
    %dma_start3A_342 = arith.constant 0 : i32
    %dma_start3A_343 = tpu.memref_slice %arg3[%get3A_340, %dma_start3A_341, %dma_start3A_342] : memref<8x3072x768xf32, #tpu.memory_space<hbm>> -> memref<1x768x768xf32, #tpu.memory_space<hbm>>
    %dma_start3A_344 = tpu.memref_squeeze %dma_start3A_343 : memref<1x768x768xf32, #tpu.memory_space<hbm>> -> memref<768x768xf32, #tpu.memory_space<hbm>>
    tpu.enqueue_dma source(%arg6 : memref<768x768xf32, #tpu.memory_space<vmem>>) target(%dma_start3A_344 : memref<768x768xf32, #tpu.memory_space<hbm>>) target_semaphore(%arg18 : memref<!tpu.dma_semaphore, #tpu.memory_space<semaphore_mem>>)
    %get3A_345 = arith.constant 2 : index
    %get3A_346 = memref.load %arg1[%get3A_345] : memref<8xi32, #tpu.memory_space<smem>>
    %dma_wait3A_347 = arith.constant 2304 : i32
    %dma_wait3A_348 = arith.constant 0 : i32
    %dma_wait3A_349 = tpu.memref_slice %arg3[%get3A_346, %dma_wait3A_347, %dma_wait3A_348] : memref<8x3072x768xf32, #tpu.memory_space<hbm>> -> memref<1x768x768xf32, #tpu.memory_space<hbm>>
    %dma_wait3A_350 = tpu.memref_squeeze %dma_wait3A_349 : memref<1x768x768xf32, #tpu.memory_space<hbm>> -> memref<768x768xf32, #tpu.memory_space<hbm>>
    tpu.wait_dma2 semaphore(%arg21 : memref<!tpu.dma_semaphore, #tpu.memory_space<semaphore_mem>>) src(%arg9 : memref<768x768xf32, #tpu.memory_space<vmem>>) dst(%dma_wait3A_350 : memref<768x768xf32, #tpu.memory_space<hbm>>)
    %get3A_351 = arith.constant 4 : index
    %get3A_352 = memref.load %arg0[%get3A_351] : memref<8xi32, #tpu.memory_space<smem>>
    %dma_start3A_353 = arith.constant 768 : i32
    %dma_start3A_354 = arith.constant 0 : i32
    %dma_start3A_355 = tpu.memref_slice %arg2[%get3A_352, %dma_start3A_353, %dma_start3A_354] : memref<16x3072x768xf32, #tpu.memory_space<hbm>> -> memref<1x768x768xf32, #tpu.memory_space<hbm>>
    %dma_start3A_356 = tpu.memref_squeeze %dma_start3A_355 : memref<1x768x768xf32, #tpu.memory_space<hbm>> -> memref<768x768xf32, #tpu.memory_space<hbm>>
    tpu.enqueue_dma source(%dma_start3A_356 : memref<768x768xf32, #tpu.memory_space<hbm>>) target(%arg9 : memref<768x768xf32, #tpu.memory_space<vmem>>) target_semaphore(%arg15 : memref<!tpu.dma_semaphore, #tpu.memory_space<semaphore_mem>>)
    %get3A_357 = arith.constant 3 : index
    %get3A_358 = memref.load %arg0[%get3A_357] : memref<8xi32, #tpu.memory_space<smem>>
    %dma_wait3A_359 = arith.constant 2304 : i32
    %dma_wait3A_360 = arith.constant 0 : i32
    %dma_wait3A_361 = tpu.memref_slice %arg2[%get3A_358, %dma_wait3A_359, %dma_wait3A_360] : memref<16x3072x768xf32, #tpu.memory_space<hbm>> -> memref<1x768x768xf32, #tpu.memory_space<hbm>>
    %dma_wait3A_362 = tpu.memref_squeeze %dma_wait3A_361 : memref<1x768x768xf32, #tpu.memory_space<hbm>> -> memref<768x768xf32, #tpu.memory_space<hbm>>
    tpu.wait_dma2 semaphore(%arg13 : memref<!tpu.dma_semaphore, #tpu.memory_space<semaphore_mem>>) src(%dma_wait3A_362 : memref<768x768xf32, #tpu.memory_space<hbm>>) dst(%arg7 : memref<768x768xf32, #tpu.memory_space<vmem>>)
    %get3A_363 = arith.constant 3 : index
    %get3A_364 = memref.load %arg1[%get3A_363] : memref<8xi32, #tpu.memory_space<smem>>
    %dma_start3A_365 = arith.constant 2304 : i32
    %dma_start3A_366 = arith.constant 0 : i32
    %dma_start3A_367 = tpu.memref_slice %arg3[%get3A_364, %dma_start3A_365, %dma_start3A_366] : memref<8x3072x768xf32, #tpu.memory_space<hbm>> -> memref<1x768x768xf32, #tpu.memory_space<hbm>>
    %dma_start3A_368 = tpu.memref_squeeze %dma_start3A_367 : memref<1x768x768xf32, #tpu.memory_space<hbm>> -> memref<768x768xf32, #tpu.memory_space<hbm>>
    tpu.enqueue_dma source(%arg7 : memref<768x768xf32, #tpu.memory_space<vmem>>) target(%dma_start3A_368 : memref<768x768xf32, #tpu.memory_space<hbm>>) target_semaphore(%arg19 : memref<!tpu.dma_semaphore, #tpu.memory_space<semaphore_mem>>)
    %get3A_369 = arith.constant 3 : index
    %get3A_370 = memref.load %arg1[%get3A_369] : memref<8xi32, #tpu.memory_space<smem>>
    %dma_wait3A_371 = arith.constant 0 : i32
    %dma_wait3A_372 = arith.constant 0 : i32
    %dma_wait3A_373 = tpu.memref_slice %arg3[%get3A_370, %dma_wait3A_371, %dma_wait3A_372] : memref<8x3072x768xf32, #tpu.memory_space<hbm>> -> memref<1x768x768xf32, #tpu.memory_space<hbm>>
    %dma_wait3A_374 = tpu.memref_squeeze %dma_wait3A_373 : memref<1x768x768xf32, #tpu.memory_space<hbm>> -> memref<768x768xf32, #tpu.memory_space<hbm>>
    tpu.wait_dma2 semaphore(%arg16 : memref<!tpu.dma_semaphore, #tpu.memory_space<semaphore_mem>>) src(%arg4 : memref<768x768xf32, #tpu.memory_space<vmem>>) dst(%dma_wait3A_374 : memref<768x768xf32, #tpu.memory_space<hbm>>)
    %get3A_375 = arith.constant 4 : index
    %get3A_376 = memref.load %arg0[%get3A_375] : memref<8xi32, #tpu.memory_space<smem>>
    %dma_start3A_377 = arith.constant 1536 : i32
    %dma_start3A_378 = arith.constant 0 : i32
    %dma_start3A_379 = tpu.memref_slice %arg2[%get3A_376, %dma_start3A_377, %dma_start3A_378] : memref<16x3072x768xf32, #tpu.memory_space<hbm>> -> memref<1x768x768xf32, #tpu.memory_space<hbm>>
    %dma_start3A_380 = tpu.memref_squeeze %dma_start3A_379 : memref<1x768x768xf32, #tpu.memory_space<hbm>> -> memref<768x768xf32, #tpu.memory_space<hbm>>
    tpu.enqueue_dma source(%dma_start3A_380 : memref<768x768xf32, #tpu.memory_space<hbm>>) target(%arg4 : memref<768x768xf32, #tpu.memory_space<vmem>>) target_semaphore(%arg10 : memref<!tpu.dma_semaphore, #tpu.memory_space<semaphore_mem>>)
    %get3A_381 = arith.constant 4 : index
    %get3A_382 = memref.load %arg0[%get3A_381] : memref<8xi32, #tpu.memory_space<smem>>
    %dma_wait3A_383 = arith.constant 0 : i32
    %dma_wait3A_384 = arith.constant 0 : i32
    %dma_wait3A_385 = tpu.memref_slice %arg2[%get3A_382, %dma_wait3A_383, %dma_wait3A_384] : memref<16x3072x768xf32, #tpu.memory_space<hbm>> -> memref<1x768x768xf32, #tpu.memory_space<hbm>>
    %dma_wait3A_386 = tpu.memref_squeeze %dma_wait3A_385 : memref<1x768x768xf32, #tpu.memory_space<hbm>> -> memref<768x768xf32, #tpu.memory_space<hbm>>
    tpu.wait_dma2 semaphore(%arg14 : memref<!tpu.dma_semaphore, #tpu.memory_space<semaphore_mem>>) src(%dma_wait3A_386 : memref<768x768xf32, #tpu.memory_space<hbm>>) dst(%arg8 : memref<768x768xf32, #tpu.memory_space<vmem>>)
    %get3A_387 = arith.constant 4 : index
    %get3A_388 = memref.load %arg1[%get3A_387] : memref<8xi32, #tpu.memory_space<smem>>
    %dma_start3A_389 = arith.constant 0 : i32
    %dma_start3A_390 = arith.constant 0 : i32
    %dma_start3A_391 = tpu.memref_slice %arg3[%get3A_388, %dma_start3A_389, %dma_start3A_390] : memref<8x3072x768xf32, #tpu.memory_space<hbm>> -> memref<1x768x768xf32, #tpu.memory_space<hbm>>
    %dma_start3A_392 = tpu.memref_squeeze %dma_start3A_391 : memref<1x768x768xf32, #tpu.memory_space<hbm>> -> memref<768x768xf32, #tpu.memory_space<hbm>>
    tpu.enqueue_dma source(%arg8 : memref<768x768xf32, #tpu.memory_space<vmem>>) target(%dma_start3A_392 : memref<768x768xf32, #tpu.memory_space<hbm>>) target_semaphore(%arg20 : memref<!tpu.dma_semaphore, #tpu.memory_space<semaphore_mem>>)
    %get3A_393 = arith.constant 3 : index
    %get3A_394 = memref.load %arg1[%get3A_393] : memref<8xi32, #tpu.memory_space<smem>>
    %dma_wait3A_395 = arith.constant 768 : i32
    %dma_wait3A_396 = arith.constant 0 : i32
    %dma_wait3A_397 = tpu.memref_slice %arg3[%get3A_394, %dma_wait3A_395, %dma_wait3A_396] : memref<8x3072x768xf32, #tpu.memory_space<hbm>> -> memref<1x768x768xf32, #tpu.memory_space<hbm>>
    %dma_wait3A_398 = tpu.memref_squeeze %dma_wait3A_397 : memref<1x768x768xf32, #tpu.memory_space<hbm>> -> memref<768x768xf32, #tpu.memory_space<hbm>>
    tpu.wait_dma2 semaphore(%arg17 : memref<!tpu.dma_semaphore, #tpu.memory_space<semaphore_mem>>) src(%arg5 : memref<768x768xf32, #tpu.memory_space<vmem>>) dst(%dma_wait3A_398 : memref<768x768xf32, #tpu.memory_space<hbm>>)
    %get3A_399 = arith.constant 4 : index
    %get3A_400 = memref.load %arg0[%get3A_399] : memref<8xi32, #tpu.memory_space<smem>>
    %dma_start3A_401 = arith.constant 2304 : i32
    %dma_start3A_402 = arith.constant 0 : i32
    %dma_start3A_403 = tpu.memref_slice %arg2[%get3A_400, %dma_start3A_401, %dma_start3A_402] : memref<16x3072x768xf32, #tpu.memory_space<hbm>> -> memref<1x768x768xf32, #tpu.memory_space<hbm>>
    %dma_start3A_404 = tpu.memref_squeeze %dma_start3A_403 : memref<1x768x768xf32, #tpu.memory_space<hbm>> -> memref<768x768xf32, #tpu.memory_space<hbm>>
    tpu.enqueue_dma source(%dma_start3A_404 : memref<768x768xf32, #tpu.memory_space<hbm>>) target(%arg5 : memref<768x768xf32, #tpu.memory_space<vmem>>) target_semaphore(%arg11 : memref<!tpu.dma_semaphore, #tpu.memory_space<semaphore_mem>>)
    %get3A_405 = arith.constant 4 : index
    %get3A_406 = memref.load %arg0[%get3A_405] : memref<8xi32, #tpu.memory_space<smem>>
    %dma_wait3A_407 = arith.constant 768 : i32
    %dma_wait3A_408 = arith.constant 0 : i32
    %dma_wait3A_409 = tpu.memref_slice %arg2[%get3A_406, %dma_wait3A_407, %dma_wait3A_408] : memref<16x3072x768xf32, #tpu.memory_space<hbm>> -> memref<1x768x768xf32, #tpu.memory_space<hbm>>
    %dma_wait3A_410 = tpu.memref_squeeze %dma_wait3A_409 : memref<1x768x768xf32, #tpu.memory_space<hbm>> -> memref<768x768xf32, #tpu.memory_space<hbm>>
    tpu.wait_dma2 semaphore(%arg15 : memref<!tpu.dma_semaphore, #tpu.memory_space<semaphore_mem>>) src(%dma_wait3A_410 : memref<768x768xf32, #tpu.memory_space<hbm>>) dst(%arg9 : memref<768x768xf32, #tpu.memory_space<vmem>>)
    %get3A_411 = arith.constant 4 : index
    %get3A_412 = memref.load %arg1[%get3A_411] : memref<8xi32, #tpu.memory_space<smem>>
    %dma_start3A_413 = arith.constant 768 : i32
    %dma_start3A_414 = arith.constant 0 : i32
    %dma_start3A_415 = tpu.memref_slice %arg3[%get3A_412, %dma_start3A_413, %dma_start3A_414] : memref<8x3072x768xf32, #tpu.memory_space<hbm>> -> memref<1x768x768xf32, #tpu.memory_space<hbm>>
    %dma_start3A_416 = tpu.memref_squeeze %dma_start3A_415 : memref<1x768x768xf32, #tpu.memory_space<hbm>> -> memref<768x768xf32, #tpu.memory_space<hbm>>
    tpu.enqueue_dma source(%arg9 : memref<768x768xf32, #tpu.memory_space<vmem>>) target(%dma_start3A_416 : memref<768x768xf32, #tpu.memory_space<hbm>>) target_semaphore(%arg21 : memref<!tpu.dma_semaphore, #tpu.memory_space<semaphore_mem>>)
    %get3A_417 = arith.constant 3 : index
    %get3A_418 = memref.load %arg1[%get3A_417] : memref<8xi32, #tpu.memory_space<smem>>
    %dma_wait3A_419 = arith.constant 1536 : i32
    %dma_wait3A_420 = arith.constant 0 : i32
    %dma_wait3A_421 = tpu.memref_slice %arg3[%get3A_418, %dma_wait3A_419, %dma_wait3A_420] : memref<8x3072x768xf32, #tpu.memory_space<hbm>> -> memref<1x768x768xf32, #tpu.memory_space<hbm>>
    %dma_wait3A_422 = tpu.memref_squeeze %dma_wait3A_421 : memref<1x768x768xf32, #tpu.memory_space<hbm>> -> memref<768x768xf32, #tpu.memory_space<hbm>>
    tpu.wait_dma2 semaphore(%arg18 : memref<!tpu.dma_semaphore, #tpu.memory_space<semaphore_mem>>) src(%arg6 : memref<768x768xf32, #tpu.memory_space<vmem>>) dst(%dma_wait3A_422 : memref<768x768xf32, #tpu.memory_space<hbm>>)
    %get3A_423 = arith.constant 5 : index
    %get3A_424 = memref.load %arg0[%get3A_423] : memref<8xi32, #tpu.memory_space<smem>>
    %dma_start3A_425 = arith.constant 0 : i32
    %dma_start3A_426 = arith.constant 0 : i32
    %dma_start3A_427 = tpu.memref_slice %arg2[%get3A_424, %dma_start3A_425, %dma_start3A_426] : memref<16x3072x768xf32, #tpu.memory_space<hbm>> -> memref<1x768x768xf32, #tpu.memory_space<hbm>>
    %dma_start3A_428 = tpu.memref_squeeze %dma_start3A_427 : memref<1x768x768xf32, #tpu.memory_space<hbm>> -> memref<768x768xf32, #tpu.memory_space<hbm>>
    tpu.enqueue_dma source(%dma_start3A_428 : memref<768x768xf32, #tpu.memory_space<hbm>>) target(%arg6 : memref<768x768xf32, #tpu.memory_space<vmem>>) target_semaphore(%arg12 : memref<!tpu.dma_semaphore, #tpu.memory_space<semaphore_mem>>)
    %get3A_429 = arith.constant 4 : index
    %get3A_430 = memref.load %arg0[%get3A_429] : memref<8xi32, #tpu.memory_space<smem>>
    %dma_wait3A_431 = arith.constant 1536 : i32
    %dma_wait3A_432 = arith.constant 0 : i32
    %dma_wait3A_433 = tpu.memref_slice %arg2[%get3A_430, %dma_wait3A_431, %dma_wait3A_432] : memref<16x3072x768xf32, #tpu.memory_space<hbm>> -> memref<1x768x768xf32, #tpu.memory_space<hbm>>
    %dma_wait3A_434 = tpu.memref_squeeze %dma_wait3A_433 : memref<1x768x768xf32, #tpu.memory_space<hbm>> -> memref<768x768xf32, #tpu.memory_space<hbm>>
    tpu.wait_dma2 semaphore(%arg10 : memref<!tpu.dma_semaphore, #tpu.memory_space<semaphore_mem>>) src(%dma_wait3A_434 : memref<768x768xf32, #tpu.memory_space<hbm>>) dst(%arg4 : memref<768x768xf32, #tpu.memory_space<vmem>>)
    %get3A_435 = arith.constant 4 : index
    %get3A_436 = memref.load %arg1[%get3A_435] : memref<8xi32, #tpu.memory_space<smem>>
    %dma_start3A_437 = arith.constant 1536 : i32
    %dma_start3A_438 = arith.constant 0 : i32
    %dma_start3A_439 = tpu.memref_slice %arg3[%get3A_436, %dma_start3A_437, %dma_start3A_438] : memref<8x3072x768xf32, #tpu.memory_space<hbm>> -> memref<1x768x768xf32, #tpu.memory_space<hbm>>
    %dma_start3A_440 = tpu.memref_squeeze %dma_start3A_439 : memref<1x768x768xf32, #tpu.memory_space<hbm>> -> memref<768x768xf32, #tpu.memory_space<hbm>>
    tpu.enqueue_dma source(%arg4 : memref<768x768xf32, #tpu.memory_space<vmem>>) target(%dma_start3A_440 : memref<768x768xf32, #tpu.memory_space<hbm>>) target_semaphore(%arg16 : memref<!tpu.dma_semaphore, #tpu.memory_space<semaphore_mem>>)
    %get3A_441 = arith.constant 3 : index
    %get3A_442 = memref.load %arg1[%get3A_441] : memref<8xi32, #tpu.memory_space<smem>>
    %dma_wait3A_443 = arith.constant 2304 : i32
    %dma_wait3A_444 = arith.constant 0 : i32
    %dma_wait3A_445 = tpu.memref_slice %arg3[%get3A_442, %dma_wait3A_443, %dma_wait3A_444] : memref<8x3072x768xf32, #tpu.memory_space<hbm>> -> memref<1x768x768xf32, #tpu.memory_space<hbm>>
    %dma_wait3A_446 = tpu.memref_squeeze %dma_wait3A_445 : memref<1x768x768xf32, #tpu.memory_space<hbm>> -> memref<768x768xf32, #tpu.memory_space<hbm>>
    tpu.wait_dma2 semaphore(%arg19 : memref<!tpu.dma_semaphore, #tpu.memory_space<semaphore_mem>>) src(%arg7 : memref<768x768xf32, #tpu.memory_space<vmem>>) dst(%dma_wait3A_446 : memref<768x768xf32, #tpu.memory_space<hbm>>)
    %get3A_447 = arith.constant 5 : index
    %get3A_448 = memref.load %arg0[%get3A_447] : memref<8xi32, #tpu.memory_space<smem>>
    %dma_start3A_449 = arith.constant 768 : i32
    %dma_start3A_450 = arith.constant 0 : i32
    %dma_start3A_451 = tpu.memref_slice %arg2[%get3A_448, %dma_start3A_449, %dma_start3A_450] : memref<16x3072x768xf32, #tpu.memory_space<hbm>> -> memref<1x768x768xf32, #tpu.memory_space<hbm>>
    %dma_start3A_452 = tpu.memref_squeeze %dma_start3A_451 : memref<1x768x768xf32, #tpu.memory_space<hbm>> -> memref<768x768xf32, #tpu.memory_space<hbm>>
    tpu.enqueue_dma source(%dma_start3A_452 : memref<768x768xf32, #tpu.memory_space<hbm>>) target(%arg7 : memref<768x768xf32, #tpu.memory_space<vmem>>) target_semaphore(%arg13 : memref<!tpu.dma_semaphore, #tpu.memory_space<semaphore_mem>>)
    %get3A_453 = arith.constant 4 : index
    %get3A_454 = memref.load %arg0[%get3A_453] : memref<8xi32, #tpu.memory_space<smem>>
    %dma_wait3A_455 = arith.constant 2304 : i32
    %dma_wait3A_456 = arith.constant 0 : i32
    %dma_wait3A_457 = tpu.memref_slice %arg2[%get3A_454, %dma_wait3A_455, %dma_wait3A_456] : memref<16x3072x768xf32, #tpu.memory_space<hbm>> -> memref<1x768x768xf32, #tpu.memory_space<hbm>>
    %dma_wait3A_458 = tpu.memref_squeeze %dma_wait3A_457 : memref<1x768x768xf32, #tpu.memory_space<hbm>> -> memref<768x768xf32, #tpu.memory_space<hbm>>
    tpu.wait_dma2 semaphore(%arg11 : memref<!tpu.dma_semaphore, #tpu.memory_space<semaphore_mem>>) src(%dma_wait3A_458 : memref<768x768xf32, #tpu.memory_space<hbm>>) dst(%arg5 : memref<768x768xf32, #tpu.memory_space<vmem>>)
    %get3A_459 = arith.constant 4 : index
    %get3A_460 = memref.load %arg1[%get3A_459] : memref<8xi32, #tpu.memory_space<smem>>
    %dma_start3A_461 = arith.constant 2304 : i32
    %dma_start3A_462 = arith.constant 0 : i32
    %dma_start3A_463 = tpu.memref_slice %arg3[%get3A_460, %dma_start3A_461, %dma_start3A_462] : memref<8x3072x768xf32, #tpu.memory_space<hbm>> -> memref<1x768x768xf32, #tpu.memory_space<hbm>>
    %dma_start3A_464 = tpu.memref_squeeze %dma_start3A_463 : memref<1x768x768xf32, #tpu.memory_space<hbm>> -> memref<768x768xf32, #tpu.memory_space<hbm>>
    tpu.enqueue_dma source(%arg5 : memref<768x768xf32, #tpu.memory_space<vmem>>) target(%dma_start3A_464 : memref<768x768xf32, #tpu.memory_space<hbm>>) target_semaphore(%arg17 : memref<!tpu.dma_semaphore, #tpu.memory_space<semaphore_mem>>)
    %get3A_465 = arith.constant 4 : index
    %get3A_466 = memref.load %arg1[%get3A_465] : memref<8xi32, #tpu.memory_space<smem>>
    %dma_wait3A_467 = arith.constant 0 : i32
    %dma_wait3A_468 = arith.constant 0 : i32
    %dma_wait3A_469 = tpu.memref_slice %arg3[%get3A_466, %dma_wait3A_467, %dma_wait3A_468] : memref<8x3072x768xf32, #tpu.memory_space<hbm>> -> memref<1x768x768xf32, #tpu.memory_space<hbm>>
    %dma_wait3A_470 = tpu.memref_squeeze %dma_wait3A_469 : memref<1x768x768xf32, #tpu.memory_space<hbm>> -> memref<768x768xf32, #tpu.memory_space<hbm>>
    tpu.wait_dma2 semaphore(%arg20 : memref<!tpu.dma_semaphore, #tpu.memory_space<semaphore_mem>>) src(%arg8 : memref<768x768xf32, #tpu.memory_space<vmem>>) dst(%dma_wait3A_470 : memref<768x768xf32, #tpu.memory_space<hbm>>)
    %get3A_471 = arith.constant 5 : index
    %get3A_472 = memref.load %arg0[%get3A_471] : memref<8xi32, #tpu.memory_space<smem>>
    %dma_start3A_473 = arith.constant 1536 : i32
    %dma_start3A_474 = arith.constant 0 : i32
    %dma_start3A_475 = tpu.memref_slice %arg2[%get3A_472, %dma_start3A_473, %dma_start3A_474] : memref<16x3072x768xf32, #tpu.memory_space<hbm>> -> memref<1x768x768xf32, #tpu.memory_space<hbm>>
    %dma_start3A_476 = tpu.memref_squeeze %dma_start3A_475 : memref<1x768x768xf32, #tpu.memory_space<hbm>> -> memref<768x768xf32, #tpu.memory_space<hbm>>
    tpu.enqueue_dma source(%dma_start3A_476 : memref<768x768xf32, #tpu.memory_space<hbm>>) target(%arg8 : memref<768x768xf32, #tpu.memory_space<vmem>>) target_semaphore(%arg14 : memref<!tpu.dma_semaphore, #tpu.memory_space<semaphore_mem>>)
    %get3A_477 = arith.constant 5 : index
    %get3A_478 = memref.load %arg0[%get3A_477] : memref<8xi32, #tpu.memory_space<smem>>
    %dma_wait3A_479 = arith.constant 0 : i32
    %dma_wait3A_480 = arith.constant 0 : i32
    %dma_wait3A_481 = tpu.memref_slice %arg2[%get3A_478, %dma_wait3A_479, %dma_wait3A_480] : memref<16x3072x768xf32, #tpu.memory_space<hbm>> -> memref<1x768x768xf32, #tpu.memory_space<hbm>>
    %dma_wait3A_482 = tpu.memref_squeeze %dma_wait3A_481 : memref<1x768x768xf32, #tpu.memory_space<hbm>> -> memref<768x768xf32, #tpu.memory_space<hbm>>
    tpu.wait_dma2 semaphore(%arg12 : memref<!tpu.dma_semaphore, #tpu.memory_space<semaphore_mem>>) src(%dma_wait3A_482 : memref<768x768xf32, #tpu.memory_space<hbm>>) dst(%arg6 : memref<768x768xf32, #tpu.memory_space<vmem>>)
    %get3A_483 = arith.constant 5 : index
    %get3A_484 = memref.load %arg1[%get3A_483] : memref<8xi32, #tpu.memory_space<smem>>
    %dma_start3A_485 = arith.constant 0 : i32
    %dma_start3A_486 = arith.constant 0 : i32
    %dma_start3A_487 = tpu.memref_slice %arg3[%get3A_484, %dma_start3A_485, %dma_start3A_486] : memref<8x3072x768xf32, #tpu.memory_space<hbm>> -> memref<1x768x768xf32, #tpu.memory_space<hbm>>
    %dma_start3A_488 = tpu.memref_squeeze %dma_start3A_487 : memref<1x768x768xf32, #tpu.memory_space<hbm>> -> memref<768x768xf32, #tpu.memory_space<hbm>>
    tpu.enqueue_dma source(%arg6 : memref<768x768xf32, #tpu.memory_space<vmem>>) target(%dma_start3A_488 : memref<768x768xf32, #tpu.memory_space<hbm>>) target_semaphore(%arg18 : memref<!tpu.dma_semaphore, #tpu.memory_space<semaphore_mem>>)
    %get3A_489 = arith.constant 4 : index
    %get3A_490 = memref.load %arg1[%get3A_489] : memref<8xi32, #tpu.memory_space<smem>>
    %dma_wait3A_491 = arith.constant 768 : i32
    %dma_wait3A_492 = arith.constant 0 : i32
    %dma_wait3A_493 = tpu.memref_slice %arg3[%get3A_490, %dma_wait3A_491, %dma_wait3A_492] : memref<8x3072x768xf32, #tpu.memory_space<hbm>> -> memref<1x768x768xf32, #tpu.memory_space<hbm>>
    %dma_wait3A_494 = tpu.memref_squeeze %dma_wait3A_493 : memref<1x768x768xf32, #tpu.memory_space<hbm>> -> memref<768x768xf32, #tpu.memory_space<hbm>>
    tpu.wait_dma2 semaphore(%arg21 : memref<!tpu.dma_semaphore, #tpu.memory_space<semaphore_mem>>) src(%arg9 : memref<768x768xf32, #tpu.memory_space<vmem>>) dst(%dma_wait3A_494 : memref<768x768xf32, #tpu.memory_space<hbm>>)
    %get3A_495 = arith.constant 5 : index
    %get3A_496 = memref.load %arg0[%get3A_495] : memref<8xi32, #tpu.memory_space<smem>>
    %dma_start3A_497 = arith.constant 2304 : i32
    %dma_start3A_498 = arith.constant 0 : i32
    %dma_start3A_499 = tpu.memref_slice %arg2[%get3A_496, %dma_start3A_497, %dma_start3A_498] : memref<16x3072x768xf32, #tpu.memory_space<hbm>> -> memref<1x768x768xf32, #tpu.memory_space<hbm>>
    %dma_start3A_500 = tpu.memref_squeeze %dma_start3A_499 : memref<1x768x768xf32, #tpu.memory_space<hbm>> -> memref<768x768xf32, #tpu.memory_space<hbm>>
    tpu.enqueue_dma source(%dma_start3A_500 : memref<768x768xf32, #tpu.memory_space<hbm>>) target(%arg9 : memref<768x768xf32, #tpu.memory_space<vmem>>) target_semaphore(%arg15 : memref<!tpu.dma_semaphore, #tpu.memory_space<semaphore_mem>>)
    %get3A_501 = arith.constant 5 : index
    %get3A_502 = memref.load %arg0[%get3A_501] : memref<8xi32, #tpu.memory_space<smem>>
    %dma_wait3A_503 = arith.constant 768 : i32
    %dma_wait3A_504 = arith.constant 0 : i32
    %dma_wait3A_505 = tpu.memref_slice %arg2[%get3A_502, %dma_wait3A_503, %dma_wait3A_504] : memref<16x3072x768xf32, #tpu.memory_space<hbm>> -> memref<1x768x768xf32, #tpu.memory_space<hbm>>
    %dma_wait3A_506 = tpu.memref_squeeze %dma_wait3A_505 : memref<1x768x768xf32, #tpu.memory_space<hbm>> -> memref<768x768xf32, #tpu.memory_space<hbm>>
    tpu.wait_dma2 semaphore(%arg13 : memref<!tpu.dma_semaphore, #tpu.memory_space<semaphore_mem>>) src(%dma_wait3A_506 : memref<768x768xf32, #tpu.memory_space<hbm>>) dst(%arg7 : memref<768x768xf32, #tpu.memory_space<vmem>>)
    %get3A_507 = arith.constant 5 : index
    %get3A_508 = memref.load %arg1[%get3A_507] : memref<8xi32, #tpu.memory_space<smem>>
    %dma_start3A_509 = arith.constant 768 : i32
    %dma_start3A_510 = arith.constant 0 : i32
    %dma_start3A_511 = tpu.memref_slice %arg3[%get3A_508, %dma_start3A_509, %dma_start3A_510] : memref<8x3072x768xf32, #tpu.memory_space<hbm>> -> memref<1x768x768xf32, #tpu.memory_space<hbm>>
    %dma_start3A_512 = tpu.memref_squeeze %dma_start3A_511 : memref<1x768x768xf32, #tpu.memory_space<hbm>> -> memref<768x768xf32, #tpu.memory_space<hbm>>
    tpu.enqueue_dma source(%arg7 : memref<768x768xf32, #tpu.memory_space<vmem>>) target(%dma_start3A_512 : memref<768x768xf32, #tpu.memory_space<hbm>>) target_semaphore(%arg19 : memref<!tpu.dma_semaphore, #tpu.memory_space<semaphore_mem>>)
    %get3A_513 = arith.constant 4 : index
    %get3A_514 = memref.load %arg1[%get3A_513] : memref<8xi32, #tpu.memory_space<smem>>
    %dma_wait3A_515 = arith.constant 1536 : i32
    %dma_wait3A_516 = arith.constant 0 : i32
    %dma_wait3A_517 = tpu.memref_slice %arg3[%get3A_514, %dma_wait3A_515, %dma_wait3A_516] : memref<8x3072x768xf32, #tpu.memory_space<hbm>> -> memref<1x768x768xf32, #tpu.memory_space<hbm>>
    %dma_wait3A_518 = tpu.memref_squeeze %dma_wait3A_517 : memref<1x768x768xf32, #tpu.memory_space<hbm>> -> memref<768x768xf32, #tpu.memory_space<hbm>>
    tpu.wait_dma2 semaphore(%arg16 : memref<!tpu.dma_semaphore, #tpu.memory_space<semaphore_mem>>) src(%arg4 : memref<768x768xf32, #tpu.memory_space<vmem>>) dst(%dma_wait3A_518 : memref<768x768xf32, #tpu.memory_space<hbm>>)
    %get3A_519 = arith.constant 6 : index
    %get3A_520 = memref.load %arg0[%get3A_519] : memref<8xi32, #tpu.memory_space<smem>>
    %dma_start3A_521 = arith.constant 0 : i32
    %dma_start3A_522 = arith.constant 0 : i32
    %dma_start3A_523 = tpu.memref_slice %arg2[%get3A_520, %dma_start3A_521, %dma_start3A_522] : memref<16x3072x768xf32, #tpu.memory_space<hbm>> -> memref<1x768x768xf32, #tpu.memory_space<hbm>>
    %dma_start3A_524 = tpu.memref_squeeze %dma_start3A_523 : memref<1x768x768xf32, #tpu.memory_space<hbm>> -> memref<768x768xf32, #tpu.memory_space<hbm>>
    tpu.enqueue_dma source(%dma_start3A_524 : memref<768x768xf32, #tpu.memory_space<hbm>>) target(%arg4 : memref<768x768xf32, #tpu.memory_space<vmem>>) target_semaphore(%arg10 : memref<!tpu.dma_semaphore, #tpu.memory_space<semaphore_mem>>)
    %get3A_525 = arith.constant 5 : index
    %get3A_526 = memref.load %arg0[%get3A_525] : memref<8xi32, #tpu.memory_space<smem>>
    %dma_wait3A_527 = arith.constant 1536 : i32
    %dma_wait3A_528 = arith.constant 0 : i32
    %dma_wait3A_529 = tpu.memref_slice %arg2[%get3A_526, %dma_wait3A_527, %dma_wait3A_528] : memref<16x3072x768xf32, #tpu.memory_space<hbm>> -> memref<1x768x768xf32, #tpu.memory_space<hbm>>
    %dma_wait3A_530 = tpu.memref_squeeze %dma_wait3A_529 : memref<1x768x768xf32, #tpu.memory_space<hbm>> -> memref<768x768xf32, #tpu.memory_space<hbm>>
    tpu.wait_dma2 semaphore(%arg14 : memref<!tpu.dma_semaphore, #tpu.memory_space<semaphore_mem>>) src(%dma_wait3A_530 : memref<768x768xf32, #tpu.memory_space<hbm>>) dst(%arg8 : memref<768x768xf32, #tpu.memory_space<vmem>>)
    %get3A_531 = arith.constant 5 : index
    %get3A_532 = memref.load %arg1[%get3A_531] : memref<8xi32, #tpu.memory_space<smem>>
    %dma_start3A_533 = arith.constant 1536 : i32
    %dma_start3A_534 = arith.constant 0 : i32
    %dma_start3A_535 = tpu.memref_slice %arg3[%get3A_532, %dma_start3A_533, %dma_start3A_534] : memref<8x3072x768xf32, #tpu.memory_space<hbm>> -> memref<1x768x768xf32, #tpu.memory_space<hbm>>
    %dma_start3A_536 = tpu.memref_squeeze %dma_start3A_535 : memref<1x768x768xf32, #tpu.memory_space<hbm>> -> memref<768x768xf32, #tpu.memory_space<hbm>>
    tpu.enqueue_dma source(%arg8 : memref<768x768xf32, #tpu.memory_space<vmem>>) target(%dma_start3A_536 : memref<768x768xf32, #tpu.memory_space<hbm>>) target_semaphore(%arg20 : memref<!tpu.dma_semaphore, #tpu.memory_space<semaphore_mem>>)
    %get3A_537 = arith.constant 4 : index
    %get3A_538 = memref.load %arg1[%get3A_537] : memref<8xi32, #tpu.memory_space<smem>>
    %dma_wait3A_539 = arith.constant 2304 : i32
    %dma_wait3A_540 = arith.constant 0 : i32
    %dma_wait3A_541 = tpu.memref_slice %arg3[%get3A_538, %dma_wait3A_539, %dma_wait3A_540] : memref<8x3072x768xf32, #tpu.memory_space<hbm>> -> memref<1x768x768xf32, #tpu.memory_space<hbm>>
    %dma_wait3A_542 = tpu.memref_squeeze %dma_wait3A_541 : memref<1x768x768xf32, #tpu.memory_space<hbm>> -> memref<768x768xf32, #tpu.memory_space<hbm>>
    tpu.wait_dma2 semaphore(%arg17 : memref<!tpu.dma_semaphore, #tpu.memory_space<semaphore_mem>>) src(%arg5 : memref<768x768xf32, #tpu.memory_space<vmem>>) dst(%dma_wait3A_542 : memref<768x768xf32, #tpu.memory_space<hbm>>)
    %get3A_543 = arith.constant 6 : index
    %get3A_544 = memref.load %arg0[%get3A_543] : memref<8xi32, #tpu.memory_space<smem>>
    %dma_start3A_545 = arith.constant 768 : i32
    %dma_start3A_546 = arith.constant 0 : i32
    %dma_start3A_547 = tpu.memref_slice %arg2[%get3A_544, %dma_start3A_545, %dma_start3A_546] : memref<16x3072x768xf32, #tpu.memory_space<hbm>> -> memref<1x768x768xf32, #tpu.memory_space<hbm>>
    %dma_start3A_548 = tpu.memref_squeeze %dma_start3A_547 : memref<1x768x768xf32, #tpu.memory_space<hbm>> -> memref<768x768xf32, #tpu.memory_space<hbm>>
    tpu.enqueue_dma source(%dma_start3A_548 : memref<768x768xf32, #tpu.memory_space<hbm>>) target(%arg5 : memref<768x768xf32, #tpu.memory_space<vmem>>) target_semaphore(%arg11 : memref<!tpu.dma_semaphore, #tpu.memory_space<semaphore_mem>>)
    %get3A_549 = arith.constant 5 : index
    %get3A_550 = memref.load %arg0[%get3A_549] : memref<8xi32, #tpu.memory_space<smem>>
    %dma_wait3A_551 = arith.constant 2304 : i32
    %dma_wait3A_552 = arith.constant 0 : i32
    %dma_wait3A_553 = tpu.memref_slice %arg2[%get3A_550, %dma_wait3A_551, %dma_wait3A_552] : memref<16x3072x768xf32, #tpu.memory_space<hbm>> -> memref<1x768x768xf32, #tpu.memory_space<hbm>>
    %dma_wait3A_554 = tpu.memref_squeeze %dma_wait3A_553 : memref<1x768x768xf32, #tpu.memory_space<hbm>> -> memref<768x768xf32, #tpu.memory_space<hbm>>
    tpu.wait_dma2 semaphore(%arg15 : memref<!tpu.dma_semaphore, #tpu.memory_space<semaphore_mem>>) src(%dma_wait3A_554 : memref<768x768xf32, #tpu.memory_space<hbm>>) dst(%arg9 : memref<768x768xf32, #tpu.memory_space<vmem>>)
    %get3A_555 = arith.constant 5 : index
    %get3A_556 = memref.load %arg1[%get3A_555] : memref<8xi32, #tpu.memory_space<smem>>
    %dma_start3A_557 = arith.constant 2304 : i32
    %dma_start3A_558 = arith.constant 0 : i32
    %dma_start3A_559 = tpu.memref_slice %arg3[%get3A_556, %dma_start3A_557, %dma_start3A_558] : memref<8x3072x768xf32, #tpu.memory_space<hbm>> -> memref<1x768x768xf32, #tpu.memory_space<hbm>>
    %dma_start3A_560 = tpu.memref_squeeze %dma_start3A_559 : memref<1x768x768xf32, #tpu.memory_space<hbm>> -> memref<768x768xf32, #tpu.memory_space<hbm>>
    tpu.enqueue_dma source(%arg9 : memref<768x768xf32, #tpu.memory_space<vmem>>) target(%dma_start3A_560 : memref<768x768xf32, #tpu.memory_space<hbm>>) target_semaphore(%arg21 : memref<!tpu.dma_semaphore, #tpu.memory_space<semaphore_mem>>)
    %get3A_561 = arith.constant 5 : index
    %get3A_562 = memref.load %arg1[%get3A_561] : memref<8xi32, #tpu.memory_space<smem>>
    %dma_wait3A_563 = arith.constant 0 : i32
    %dma_wait3A_564 = arith.constant 0 : i32
    %dma_wait3A_565 = tpu.memref_slice %arg3[%get3A_562, %dma_wait3A_563, %dma_wait3A_564] : memref<8x3072x768xf32, #tpu.memory_space<hbm>> -> memref<1x768x768xf32, #tpu.memory_space<hbm>>
    %dma_wait3A_566 = tpu.memref_squeeze %dma_wait3A_565 : memref<1x768x768xf32, #tpu.memory_space<hbm>> -> memref<768x768xf32, #tpu.memory_space<hbm>>
    tpu.wait_dma2 semaphore(%arg18 : memref<!tpu.dma_semaphore, #tpu.memory_space<semaphore_mem>>) src(%arg6 : memref<768x768xf32, #tpu.memory_space<vmem>>) dst(%dma_wait3A_566 : memref<768x768xf32, #tpu.memory_space<hbm>>)
    %get3A_567 = arith.constant 6 : index
    %get3A_568 = memref.load %arg0[%get3A_567] : memref<8xi32, #tpu.memory_space<smem>>
    %dma_start3A_569 = arith.constant 1536 : i32
    %dma_start3A_570 = arith.constant 0 : i32
    %dma_start3A_571 = tpu.memref_slice %arg2[%get3A_568, %dma_start3A_569, %dma_start3A_570] : memref<16x3072x768xf32, #tpu.memory_space<hbm>> -> memref<1x768x768xf32, #tpu.memory_space<hbm>>
    %dma_start3A_572 = tpu.memref_squeeze %dma_start3A_571 : memref<1x768x768xf32, #tpu.memory_space<hbm>> -> memref<768x768xf32, #tpu.memory_space<hbm>>
    tpu.enqueue_dma source(%dma_start3A_572 : memref<768x768xf32, #tpu.memory_space<hbm>>) target(%arg6 : memref<768x768xf32, #tpu.memory_space<vmem>>) target_semaphore(%arg12 : memref<!tpu.dma_semaphore, #tpu.memory_space<semaphore_mem>>)
    %get3A_573 = arith.constant 6 : index
    %get3A_574 = memref.load %arg0[%get3A_573] : memref<8xi32, #tpu.memory_space<smem>>
    %dma_wait3A_575 = arith.constant 0 : i32
    %dma_wait3A_576 = arith.constant 0 : i32
    %dma_wait3A_577 = tpu.memref_slice %arg2[%get3A_574, %dma_wait3A_575, %dma_wait3A_576] : memref<16x3072x768xf32, #tpu.memory_space<hbm>> -> memref<1x768x768xf32, #tpu.memory_space<hbm>>
    %dma_wait3A_578 = tpu.memref_squeeze %dma_wait3A_577 : memref<1x768x768xf32, #tpu.memory_space<hbm>> -> memref<768x768xf32, #tpu.memory_space<hbm>>
    tpu.wait_dma2 semaphore(%arg10 : memref<!tpu.dma_semaphore, #tpu.memory_space<semaphore_mem>>) src(%dma_wait3A_578 : memref<768x768xf32, #tpu.memory_space<hbm>>) dst(%arg4 : memref<768x768xf32, #tpu.memory_space<vmem>>)
    %get3A_579 = arith.constant 6 : index
    %get3A_580 = memref.load %arg1[%get3A_579] : memref<8xi32, #tpu.memory_space<smem>>
    %dma_start3A_581 = arith.constant 0 : i32
    %dma_start3A_582 = arith.constant 0 : i32
    %dma_start3A_583 = tpu.memref_slice %arg3[%get3A_580, %dma_start3A_581, %dma_start3A_582] : memref<8x3072x768xf32, #tpu.memory_space<hbm>> -> memref<1x768x768xf32, #tpu.memory_space<hbm>>
    %dma_start3A_584 = tpu.memref_squeeze %dma_start3A_583 : memref<1x768x768xf32, #tpu.memory_space<hbm>> -> memref<768x768xf32, #tpu.memory_space<hbm>>
    tpu.enqueue_dma source(%arg4 : memref<768x768xf32, #tpu.memory_space<vmem>>) target(%dma_start3A_584 : memref<768x768xf32, #tpu.memory_space<hbm>>) target_semaphore(%arg16 : memref<!tpu.dma_semaphore, #tpu.memory_space<semaphore_mem>>)
    %get3A_585 = arith.constant 5 : index
    %get3A_586 = memref.load %arg1[%get3A_585] : memref<8xi32, #tpu.memory_space<smem>>
    %dma_wait3A_587 = arith.constant 768 : i32
    %dma_wait3A_588 = arith.constant 0 : i32
    %dma_wait3A_589 = tpu.memref_slice %arg3[%get3A_586, %dma_wait3A_587, %dma_wait3A_588] : memref<8x3072x768xf32, #tpu.memory_space<hbm>> -> memref<1x768x768xf32, #tpu.memory_space<hbm>>
    %dma_wait3A_590 = tpu.memref_squeeze %dma_wait3A_589 : memref<1x768x768xf32, #tpu.memory_space<hbm>> -> memref<768x768xf32, #tpu.memory_space<hbm>>
    tpu.wait_dma2 semaphore(%arg19 : memref<!tpu.dma_semaphore, #tpu.memory_space<semaphore_mem>>) src(%arg7 : memref<768x768xf32, #tpu.memory_space<vmem>>) dst(%dma_wait3A_590 : memref<768x768xf32, #tpu.memory_space<hbm>>)
    %get3A_591 = arith.constant 6 : index
    %get3A_592 = memref.load %arg0[%get3A_591] : memref<8xi32, #tpu.memory_space<smem>>
    %dma_start3A_593 = arith.constant 2304 : i32
    %dma_start3A_594 = arith.constant 0 : i32
    %dma_start3A_595 = tpu.memref_slice %arg2[%get3A_592, %dma_start3A_593, %dma_start3A_594] : memref<16x3072x768xf32, #tpu.memory_space<hbm>> -> memref<1x768x768xf32, #tpu.memory_space<hbm>>
    %dma_start3A_596 = tpu.memref_squeeze %dma_start3A_595 : memref<1x768x768xf32, #tpu.memory_space<hbm>> -> memref<768x768xf32, #tpu.memory_space<hbm>>
    tpu.enqueue_dma source(%dma_start3A_596 : memref<768x768xf32, #tpu.memory_space<hbm>>) target(%arg7 : memref<768x768xf32, #tpu.memory_space<vmem>>) target_semaphore(%arg13 : memref<!tpu.dma_semaphore, #tpu.memory_space<semaphore_mem>>)
    %get3A_597 = arith.constant 6 : index
    %get3A_598 = memref.load %arg0[%get3A_597] : memref<8xi32, #tpu.memory_space<smem>>
    %dma_wait3A_599 = arith.constant 768 : i32
    %dma_wait3A_600 = arith.constant 0 : i32
    %dma_wait3A_601 = tpu.memref_slice %arg2[%get3A_598, %dma_wait3A_599, %dma_wait3A_600] : memref<16x3072x768xf32, #tpu.memory_space<hbm>> -> memref<1x768x768xf32, #tpu.memory_space<hbm>>
    %dma_wait3A_602 = tpu.memref_squeeze %dma_wait3A_601 : memref<1x768x768xf32, #tpu.memory_space<hbm>> -> memref<768x768xf32, #tpu.memory_space<hbm>>
    tpu.wait_dma2 semaphore(%arg11 : memref<!tpu.dma_semaphore, #tpu.memory_space<semaphore_mem>>) src(%dma_wait3A_602 : memref<768x768xf32, #tpu.memory_space<hbm>>) dst(%arg5 : memref<768x768xf32, #tpu.memory_space<vmem>>)
    %get3A_603 = arith.constant 6 : index
    %get3A_604 = memref.load %arg1[%get3A_603] : memref<8xi32, #tpu.memory_space<smem>>
    %dma_start3A_605 = arith.constant 768 : i32
    %dma_start3A_606 = arith.constant 0 : i32
    %dma_start3A_607 = tpu.memref_slice %arg3[%get3A_604, %dma_start3A_605, %dma_start3A_606] : memref<8x3072x768xf32, #tpu.memory_space<hbm>> -> memref<1x768x768xf32, #tpu.memory_space<hbm>>
    %dma_start3A_608 = tpu.memref_squeeze %dma_start3A_607 : memref<1x768x768xf32, #tpu.memory_space<hbm>> -> memref<768x768xf32, #tpu.memory_space<hbm>>
    tpu.enqueue_dma source(%arg5 : memref<768x768xf32, #tpu.memory_space<vmem>>) target(%dma_start3A_608 : memref<768x768xf32, #tpu.memory_space<hbm>>) target_semaphore(%arg17 : memref<!tpu.dma_semaphore, #tpu.memory_space<semaphore_mem>>)
    %get3A_609 = arith.constant 5 : index
    %get3A_610 = memref.load %arg1[%get3A_609] : memref<8xi32, #tpu.memory_space<smem>>
    %dma_wait3A_611 = arith.constant 1536 : i32
    %dma_wait3A_612 = arith.constant 0 : i32
    %dma_wait3A_613 = tpu.memref_slice %arg3[%get3A_610, %dma_wait3A_611, %dma_wait3A_612] : memref<8x3072x768xf32, #tpu.memory_space<hbm>> -> memref<1x768x768xf32, #tpu.memory_space<hbm>>
    %dma_wait3A_614 = tpu.memref_squeeze %dma_wait3A_613 : memref<1x768x768xf32, #tpu.memory_space<hbm>> -> memref<768x768xf32, #tpu.memory_space<hbm>>
    tpu.wait_dma2 semaphore(%arg20 : memref<!tpu.dma_semaphore, #tpu.memory_space<semaphore_mem>>) src(%arg8 : memref<768x768xf32, #tpu.memory_space<vmem>>) dst(%dma_wait3A_614 : memref<768x768xf32, #tpu.memory_space<hbm>>)
    %get3A_615 = arith.constant 7 : index
    %get3A_616 = memref.load %arg0[%get3A_615] : memref<8xi32, #tpu.memory_space<smem>>
    %dma_start3A_617 = arith.constant 0 : i32
    %dma_start3A_618 = arith.constant 0 : i32
    %dma_start3A_619 = tpu.memref_slice %arg2[%get3A_616, %dma_start3A_617, %dma_start3A_618] : memref<16x3072x768xf32, #tpu.memory_space<hbm>> -> memref<1x768x768xf32, #tpu.memory_space<hbm>>
    %dma_start3A_620 = tpu.memref_squeeze %dma_start3A_619 : memref<1x768x768xf32, #tpu.memory_space<hbm>> -> memref<768x768xf32, #tpu.memory_space<hbm>>
    tpu.enqueue_dma source(%dma_start3A_620 : memref<768x768xf32, #tpu.memory_space<hbm>>) target(%arg8 : memref<768x768xf32, #tpu.memory_space<vmem>>) target_semaphore(%arg14 : memref<!tpu.dma_semaphore, #tpu.memory_space<semaphore_mem>>)
    %get3A_621 = arith.constant 6 : index
    %get3A_622 = memref.load %arg0[%get3A_621] : memref<8xi32, #tpu.memory_space<smem>>
    %dma_wait3A_623 = arith.constant 1536 : i32
    %dma_wait3A_624 = arith.constant 0 : i32
    %dma_wait3A_625 = tpu.memref_slice %arg2[%get3A_622, %dma_wait3A_623, %dma_wait3A_624] : memref<16x3072x768xf32, #tpu.memory_space<hbm>> -> memref<1x768x768xf32, #tpu.memory_space<hbm>>
    %dma_wait3A_626 = tpu.memref_squeeze %dma_wait3A_625 : memref<1x768x768xf32, #tpu.memory_space<hbm>> -> memref<768x768xf32, #tpu.memory_space<hbm>>
    tpu.wait_dma2 semaphore(%arg12 : memref<!tpu.dma_semaphore, #tpu.memory_space<semaphore_mem>>) src(%dma_wait3A_626 : memref<768x768xf32, #tpu.memory_space<hbm>>) dst(%arg6 : memref<768x768xf32, #tpu.memory_space<vmem>>)
    %get3A_627 = arith.constant 6 : index
    %get3A_628 = memref.load %arg1[%get3A_627] : memref<8xi32, #tpu.memory_space<smem>>
    %dma_start3A_629 = arith.constant 1536 : i32
    %dma_start3A_630 = arith.constant 0 : i32
    %dma_start3A_631 = tpu.memref_slice %arg3[%get3A_628, %dma_start3A_629, %dma_start3A_630] : memref<8x3072x768xf32, #tpu.memory_space<hbm>> -> memref<1x768x768xf32, #tpu.memory_space<hbm>>
    %dma_start3A_632 = tpu.memref_squeeze %dma_start3A_631 : memref<1x768x768xf32, #tpu.memory_space<hbm>> -> memref<768x768xf32, #tpu.memory_space<hbm>>
    tpu.enqueue_dma source(%arg6 : memref<768x768xf32, #tpu.memory_space<vmem>>) target(%dma_start3A_632 : memref<768x768xf32, #tpu.memory_space<hbm>>) target_semaphore(%arg18 : memref<!tpu.dma_semaphore, #tpu.memory_space<semaphore_mem>>)
    %get3A_633 = arith.constant 5 : index
    %get3A_634 = memref.load %arg1[%get3A_633] : memref<8xi32, #tpu.memory_space<smem>>
    %dma_wait3A_635 = arith.constant 2304 : i32
    %dma_wait3A_636 = arith.constant 0 : i32
    %dma_wait3A_637 = tpu.memref_slice %arg3[%get3A_634, %dma_wait3A_635, %dma_wait3A_636] : memref<8x3072x768xf32, #tpu.memory_space<hbm>> -> memref<1x768x768xf32, #tpu.memory_space<hbm>>
    %dma_wait3A_638 = tpu.memref_squeeze %dma_wait3A_637 : memref<1x768x768xf32, #tpu.memory_space<hbm>> -> memref<768x768xf32, #tpu.memory_space<hbm>>
    tpu.wait_dma2 semaphore(%arg21 : memref<!tpu.dma_semaphore, #tpu.memory_space<semaphore_mem>>) src(%arg9 : memref<768x768xf32, #tpu.memory_space<vmem>>) dst(%dma_wait3A_638 : memref<768x768xf32, #tpu.memory_space<hbm>>)
    %get3A_639 = arith.constant 7 : index
    %get3A_640 = memref.load %arg0[%get3A_639] : memref<8xi32, #tpu.memory_space<smem>>
    %dma_start3A_641 = arith.constant 768 : i32
    %dma_start3A_642 = arith.constant 0 : i32
    %dma_start3A_643 = tpu.memref_slice %arg2[%get3A_640, %dma_start3A_641, %dma_start3A_642] : memref<16x3072x768xf32, #tpu.memory_space<hbm>> -> memref<1x768x768xf32, #tpu.memory_space<hbm>>
    %dma_start3A_644 = tpu.memref_squeeze %dma_start3A_643 : memref<1x768x768xf32, #tpu.memory_space<hbm>> -> memref<768x768xf32, #tpu.memory_space<hbm>>
    tpu.enqueue_dma source(%dma_start3A_644 : memref<768x768xf32, #tpu.memory_space<hbm>>) target(%arg9 : memref<768x768xf32, #tpu.memory_space<vmem>>) target_semaphore(%arg15 : memref<!tpu.dma_semaphore, #tpu.memory_space<semaphore_mem>>)
    %get3A_645 = arith.constant 6 : index
    %get3A_646 = memref.load %arg0[%get3A_645] : memref<8xi32, #tpu.memory_space<smem>>
    %dma_wait3A_647 = arith.constant 2304 : i32
    %dma_wait3A_648 = arith.constant 0 : i32
    %dma_wait3A_649 = tpu.memref_slice %arg2[%get3A_646, %dma_wait3A_647, %dma_wait3A_648] : memref<16x3072x768xf32, #tpu.memory_space<hbm>> -> memref<1x768x768xf32, #tpu.memory_space<hbm>>
    %dma_wait3A_650 = tpu.memref_squeeze %dma_wait3A_649 : memref<1x768x768xf32, #tpu.memory_space<hbm>> -> memref<768x768xf32, #tpu.memory_space<hbm>>
    tpu.wait_dma2 semaphore(%arg13 : memref<!tpu.dma_semaphore, #tpu.memory_space<semaphore_mem>>) src(%dma_wait3A_650 : memref<768x768xf32, #tpu.memory_space<hbm>>) dst(%arg7 : memref<768x768xf32, #tpu.memory_space<vmem>>)
    %get3A_651 = arith.constant 6 : index
    %get3A_652 = memref.load %arg1[%get3A_651] : memref<8xi32, #tpu.memory_space<smem>>
    %dma_start3A_653 = arith.constant 2304 : i32
    %dma_start3A_654 = arith.constant 0 : i32
    %dma_start3A_655 = tpu.memref_slice %arg3[%get3A_652, %dma_start3A_653, %dma_start3A_654] : memref<8x3072x768xf32, #tpu.memory_space<hbm>> -> memref<1x768x768xf32, #tpu.memory_space<hbm>>
    %dma_start3A_656 = tpu.memref_squeeze %dma_start3A_655 : memref<1x768x768xf32, #tpu.memory_space<hbm>> -> memref<768x768xf32, #tpu.memory_space<hbm>>
    tpu.enqueue_dma source(%arg7 : memref<768x768xf32, #tpu.memory_space<vmem>>) target(%dma_start3A_656 : memref<768x768xf32, #tpu.memory_space<hbm>>) target_semaphore(%arg19 : memref<!tpu.dma_semaphore, #tpu.memory_space<semaphore_mem>>)
    %get3A_657 = arith.constant 6 : index
    %get3A_658 = memref.load %arg1[%get3A_657] : memref<8xi32, #tpu.memory_space<smem>>
    %dma_wait3A_659 = arith.constant 0 : i32
    %dma_wait3A_660 = arith.constant 0 : i32
    %dma_wait3A_661 = tpu.memref_slice %arg3[%get3A_658, %dma_wait3A_659, %dma_wait3A_660] : memref<8x3072x768xf32, #tpu.memory_space<hbm>> -> memref<1x768x768xf32, #tpu.memory_space<hbm>>
    %dma_wait3A_662 = tpu.memref_squeeze %dma_wait3A_661 : memref<1x768x768xf32, #tpu.memory_space<hbm>> -> memref<768x768xf32, #tpu.memory_space<hbm>>
    tpu.wait_dma2 semaphore(%arg16 : memref<!tpu.dma_semaphore, #tpu.memory_space<semaphore_mem>>) src(%arg4 : memref<768x768xf32, #tpu.memory_space<vmem>>) dst(%dma_wait3A_662 : memref<768x768xf32, #tpu.memory_space<hbm>>)
    %get3A_663 = arith.constant 7 : index
    %get3A_664 = memref.load %arg0[%get3A_663] : memref<8xi32, #tpu.memory_space<smem>>
    %dma_start3A_665 = arith.constant 1536 : i32
    %dma_start3A_666 = arith.constant 0 : i32
    %dma_start3A_667 = tpu.memref_slice %arg2[%get3A_664, %dma_start3A_665, %dma_start3A_666] : memref<16x3072x768xf32, #tpu.memory_space<hbm>> -> memref<1x768x768xf32, #tpu.memory_space<hbm>>
    %dma_start3A_668 = tpu.memref_squeeze %dma_start3A_667 : memref<1x768x768xf32, #tpu.memory_space<hbm>> -> memref<768x768xf32, #tpu.memory_space<hbm>>
    tpu.enqueue_dma source(%dma_start3A_668 : memref<768x768xf32, #tpu.memory_space<hbm>>) target(%arg4 : memref<768x768xf32, #tpu.memory_space<vmem>>) target_semaphore(%arg10 : memref<!tpu.dma_semaphore, #tpu.memory_space<semaphore_mem>>)
    %get3A_669 = arith.constant 7 : index
    %get3A_670 = memref.load %arg0[%get3A_669] : memref<8xi32, #tpu.memory_space<smem>>
    %dma_wait3A_671 = arith.constant 0 : i32
    %dma_wait3A_672 = arith.constant 0 : i32
    %dma_wait3A_673 = tpu.memref_slice %arg2[%get3A_670, %dma_wait3A_671, %dma_wait3A_672] : memref<16x3072x768xf32, #tpu.memory_space<hbm>> -> memref<1x768x768xf32, #tpu.memory_space<hbm>>
    %dma_wait3A_674 = tpu.memref_squeeze %dma_wait3A_673 : memref<1x768x768xf32, #tpu.memory_space<hbm>> -> memref<768x768xf32, #tpu.memory_space<hbm>>
    tpu.wait_dma2 semaphore(%arg14 : memref<!tpu.dma_semaphore, #tpu.memory_space<semaphore_mem>>) src(%dma_wait3A_674 : memref<768x768xf32, #tpu.memory_space<hbm>>) dst(%arg8 : memref<768x768xf32, #tpu.memory_space<vmem>>)
    %get3A_675 = arith.constant 7 : index
    %get3A_676 = memref.load %arg1[%get3A_675] : memref<8xi32, #tpu.memory_space<smem>>
    %dma_start3A_677 = arith.constant 0 : i32
    %dma_start3A_678 = arith.constant 0 : i32
    %dma_start3A_679 = tpu.memref_slice %arg3[%get3A_676, %dma_start3A_677, %dma_start3A_678] : memref<8x3072x768xf32, #tpu.memory_space<hbm>> -> memref<1x768x768xf32, #tpu.memory_space<hbm>>
    %dma_start3A_680 = tpu.memref_squeeze %dma_start3A_679 : memref<1x768x768xf32, #tpu.memory_space<hbm>> -> memref<768x768xf32, #tpu.memory_space<hbm>>
    tpu.enqueue_dma source(%arg8 : memref<768x768xf32, #tpu.memory_space<vmem>>) target(%dma_start3A_680 : memref<768x768xf32, #tpu.memory_space<hbm>>) target_semaphore(%arg20 : memref<!tpu.dma_semaphore, #tpu.memory_space<semaphore_mem>>)
    %get3A_681 = arith.constant 6 : index
    %get3A_682 = memref.load %arg1[%get3A_681] : memref<8xi32, #tpu.memory_space<smem>>
    %dma_wait3A_683 = arith.constant 768 : i32
    %dma_wait3A_684 = arith.constant 0 : i32
    %dma_wait3A_685 = tpu.memref_slice %arg3[%get3A_682, %dma_wait3A_683, %dma_wait3A_684] : memref<8x3072x768xf32, #tpu.memory_space<hbm>> -> memref<1x768x768xf32, #tpu.memory_space<hbm>>
    %dma_wait3A_686 = tpu.memref_squeeze %dma_wait3A_685 : memref<1x768x768xf32, #tpu.memory_space<hbm>> -> memref<768x768xf32, #tpu.memory_space<hbm>>
    tpu.wait_dma2 semaphore(%arg17 : memref<!tpu.dma_semaphore, #tpu.memory_space<semaphore_mem>>) src(%arg5 : memref<768x768xf32, #tpu.memory_space<vmem>>) dst(%dma_wait3A_686 : memref<768x768xf32, #tpu.memory_space<hbm>>)
    %get3A_687 = arith.constant 7 : index
    %get3A_688 = memref.load %arg0[%get3A_687] : memref<8xi32, #tpu.memory_space<smem>>
    %dma_start3A_689 = arith.constant 2304 : i32
    %dma_start3A_690 = arith.constant 0 : i32
    %dma_start3A_691 = tpu.memref_slice %arg2[%get3A_688, %dma_start3A_689, %dma_start3A_690] : memref<16x3072x768xf32, #tpu.memory_space<hbm>> -> memref<1x768x768xf32, #tpu.memory_space<hbm>>
    %dma_start3A_692 = tpu.memref_squeeze %dma_start3A_691 : memref<1x768x768xf32, #tpu.memory_space<hbm>> -> memref<768x768xf32, #tpu.memory_space<hbm>>
    tpu.enqueue_dma source(%dma_start3A_692 : memref<768x768xf32, #tpu.memory_space<hbm>>) target(%arg5 : memref<768x768xf32, #tpu.memory_space<vmem>>) target_semaphore(%arg11 : memref<!tpu.dma_semaphore, #tpu.memory_space<semaphore_mem>>)
    %get3A_693 = arith.constant 7 : index
    %get3A_694 = memref.load %arg0[%get3A_693] : memref<8xi32, #tpu.memory_space<smem>>
    %dma_wait3A_695 = arith.constant 768 : i32
    %dma_wait3A_696 = arith.constant 0 : i32
    %dma_wait3A_697 = tpu.memref_slice %arg2[%get3A_694, %dma_wait3A_695, %dma_wait3A_696] : memref<16x3072x768xf32, #tpu.memory_space<hbm>> -> memref<1x768x768xf32, #tpu.memory_space<hbm>>
    %dma_wait3A_698 = tpu.memref_squeeze %dma_wait3A_697 : memref<1x768x768xf32, #tpu.memory_space<hbm>> -> memref<768x768xf32, #tpu.memory_space<hbm>>
    tpu.wait_dma2 semaphore(%arg15 : memref<!tpu.dma_semaphore, #tpu.memory_space<semaphore_mem>>) src(%dma_wait3A_698 : memref<768x768xf32, #tpu.memory_space<hbm>>) dst(%arg9 : memref<768x768xf32, #tpu.memory_space<vmem>>)
    %get3A_699 = arith.constant 7 : index
    %get3A_700 = memref.load %arg1[%get3A_699] : memref<8xi32, #tpu.memory_space<smem>>
    %dma_start3A_701 = arith.constant 768 : i32
    %dma_start3A_702 = arith.constant 0 : i32
    %dma_start3A_703 = tpu.memref_slice %arg3[%get3A_700, %dma_start3A_701, %dma_start3A_702] : memref<8x3072x768xf32, #tpu.memory_space<hbm>> -> memref<1x768x768xf32, #tpu.memory_space<hbm>>
    %dma_start3A_704 = tpu.memref_squeeze %dma_start3A_703 : memref<1x768x768xf32, #tpu.memory_space<hbm>> -> memref<768x768xf32, #tpu.memory_space<hbm>>
    tpu.enqueue_dma source(%arg9 : memref<768x768xf32, #tpu.memory_space<vmem>>) target(%dma_start3A_704 : memref<768x768xf32, #tpu.memory_space<hbm>>) target_semaphore(%arg21 : memref<!tpu.dma_semaphore, #tpu.memory_space<semaphore_mem>>)
    %get3A_705 = arith.constant 7 : index
    %get3A_706 = memref.load %arg0[%get3A_705] : memref<8xi32, #tpu.memory_space<smem>>
    %dma_wait3A_707 = arith.constant 1536 : i32
    %dma_wait3A_708 = arith.constant 0 : i32
    %dma_wait3A_709 = tpu.memref_slice %arg2[%get3A_706, %dma_wait3A_707, %dma_wait3A_708] : memref<16x3072x768xf32, #tpu.memory_space<hbm>> -> memref<1x768x768xf32, #tpu.memory_space<hbm>>
    %dma_wait3A_710 = tpu.memref_squeeze %dma_wait3A_709 : memref<1x768x768xf32, #tpu.memory_space<hbm>> -> memref<768x768xf32, #tpu.memory_space<hbm>>
    tpu.wait_dma2 semaphore(%arg10 : memref<!tpu.dma_semaphore, #tpu.memory_space<semaphore_mem>>) src(%dma_wait3A_710 : memref<768x768xf32, #tpu.memory_space<hbm>>) dst(%arg4 : memref<768x768xf32, #tpu.memory_space<vmem>>)
    %get3A_711 = arith.constant 7 : index
    %get3A_712 = memref.load %arg1[%get3A_711] : memref<8xi32, #tpu.memory_space<smem>>
    %dma_start3A_713 = arith.constant 1536 : i32
    %dma_start3A_714 = arith.constant 0 : i32
    %dma_start3A_715 = tpu.memref_slice %arg3[%get3A_712, %dma_start3A_713, %dma_start3A_714] : memref<8x3072x768xf32, #tpu.memory_space<hbm>> -> memref<1x768x768xf32, #tpu.memory_space<hbm>>
    %dma_start3A_716 = tpu.memref_squeeze %dma_start3A_715 : memref<1x768x768xf32, #tpu.memory_space<hbm>> -> memref<768x768xf32, #tpu.memory_space<hbm>>
    tpu.enqueue_dma source(%arg4 : memref<768x768xf32, #tpu.memory_space<vmem>>) target(%dma_start3A_716 : memref<768x768xf32, #tpu.memory_space<hbm>>) target_semaphore(%arg16 : memref<!tpu.dma_semaphore, #tpu.memory_space<semaphore_mem>>)
    %get3A_717 = arith.constant 7 : index
    %get3A_718 = memref.load %arg0[%get3A_717] : memref<8xi32, #tpu.memory_space<smem>>
    %dma_wait3A_719 = arith.constant 2304 : i32
    %dma_wait3A_720 = arith.constant 0 : i32
    %dma_wait3A_721 = tpu.memref_slice %arg2[%get3A_718, %dma_wait3A_719, %dma_wait3A_720] : memref<16x3072x768xf32, #tpu.memory_space<hbm>> -> memref<1x768x768xf32, #tpu.memory_space<hbm>>
    %dma_wait3A_722 = tpu.memref_squeeze %dma_wait3A_721 : memref<1x768x768xf32, #tpu.memory_space<hbm>> -> memref<768x768xf32, #tpu.memory_space<hbm>>
    tpu.wait_dma2 semaphore(%arg11 : memref<!tpu.dma_semaphore, #tpu.memory_space<semaphore_mem>>) src(%dma_wait3A_722 : memref<768x768xf32, #tpu.memory_space<hbm>>) dst(%arg5 : memref<768x768xf32, #tpu.memory_space<vmem>>)
    %get3A_723 = arith.constant 7 : index
    %get3A_724 = memref.load %arg1[%get3A_723] : memref<8xi32, #tpu.memory_space<smem>>
    %dma_start3A_725 = arith.constant 2304 : i32
    %dma_start3A_726 = arith.constant 0 : i32
    %dma_start3A_727 = tpu.memref_slice %arg3[%get3A_724, %dma_start3A_725, %dma_start3A_726] : memref<8x3072x768xf32, #tpu.memory_space<hbm>> -> memref<1x768x768xf32, #tpu.memory_space<hbm>>
    %dma_start3A_728 = tpu.memref_squeeze %dma_start3A_727 : memref<1x768x768xf32, #tpu.memory_space<hbm>> -> memref<768x768xf32, #tpu.memory_space<hbm>>
    tpu.enqueue_dma source(%arg5 : memref<768x768xf32, #tpu.memory_space<vmem>>) target(%dma_start3A_728 : memref<768x768xf32, #tpu.memory_space<hbm>>) target_semaphore(%arg17 : memref<!tpu.dma_semaphore, #tpu.memory_space<semaphore_mem>>)
    %get3A_729 = arith.constant 6 : index
    %get3A_730 = memref.load %arg1[%get3A_729] : memref<8xi32, #tpu.memory_space<smem>>
    %dma_wait3A_731 = arith.constant 1536 : i32
    %dma_wait3A_732 = arith.constant 0 : i32
    %dma_wait3A_733 = tpu.memref_slice %arg3[%get3A_730, %dma_wait3A_731, %dma_wait3A_732] : memref<8x3072x768xf32, #tpu.memory_space<hbm>> -> memref<1x768x768xf32, #tpu.memory_space<hbm>>
    %dma_wait3A_734 = tpu.memref_squeeze %dma_wait3A_733 : memref<1x768x768xf32, #tpu.memory_space<hbm>> -> memref<768x768xf32, #tpu.memory_space<hbm>>
    tpu.wait_dma2 semaphore(%arg18 : memref<!tpu.dma_semaphore, #tpu.memory_space<semaphore_mem>>) src(%arg6 : memref<768x768xf32, #tpu.memory_space<vmem>>) dst(%dma_wait3A_734 : memref<768x768xf32, #tpu.memory_space<hbm>>)
    %get3A_735 = arith.constant 6 : index
    %get3A_736 = memref.load %arg1[%get3A_735] : memref<8xi32, #tpu.memory_space<smem>>
    %dma_wait3A_737 = arith.constant 2304 : i32
    %dma_wait3A_738 = arith.constant 0 : i32
    %dma_wait3A_739 = tpu.memref_slice %arg3[%get3A_736, %dma_wait3A_737, %dma_wait3A_738] : memref<8x3072x768xf32, #tpu.memory_space<hbm>> -> memref<1x768x768xf32, #tpu.memory_space<hbm>>
    %dma_wait3A_740 = tpu.memref_squeeze %dma_wait3A_739 : memref<1x768x768xf32, #tpu.memory_space<hbm>> -> memref<768x768xf32, #tpu.memory_space<hbm>>
    tpu.wait_dma2 semaphore(%arg19 : memref<!tpu.dma_semaphore, #tpu.memory_space<semaphore_mem>>) src(%arg7 : memref<768x768xf32, #tpu.memory_space<vmem>>) dst(%dma_wait3A_740 : memref<768x768xf32, #tpu.memory_space<hbm>>)
    %get3A_741 = arith.constant 7 : index
    %get3A_742 = memref.load %arg1[%get3A_741] : memref<8xi32, #tpu.memory_space<smem>>
    %dma_wait3A_743 = arith.constant 0 : i32
    %dma_wait3A_744 = arith.constant 0 : i32
    %dma_wait3A_745 = tpu.memref_slice %arg3[%get3A_742, %dma_wait3A_743, %dma_wait3A_744] : memref<8x3072x768xf32, #tpu.memory_space<hbm>> -> memref<1x768x768xf32, #tpu.memory_space<hbm>>
    %dma_wait3A_746 = tpu.memref_squeeze %dma_wait3A_745 : memref<1x768x768xf32, #tpu.memory_space<hbm>> -> memref<768x768xf32, #tpu.memory_space<hbm>>
    tpu.wait_dma2 semaphore(%arg20 : memref<!tpu.dma_semaphore, #tpu.memory_space<semaphore_mem>>) src(%arg8 : memref<768x768xf32, #tpu.memory_space<vmem>>) dst(%dma_wait3A_746 : memref<768x768xf32, #tpu.memory_space<hbm>>)
    %get3A_747 = arith.constant 7 : index
    %get3A_748 = memref.load %arg1[%get3A_747] : memref<8xi32, #tpu.memory_space<smem>>
    %dma_wait3A_749 = arith.constant 768 : i32
    %dma_wait3A_750 = arith.constant 0 : i32
    %dma_wait3A_751 = tpu.memref_slice %arg3[%get3A_748, %dma_wait3A_749, %dma_wait3A_750] : memref<8x3072x768xf32, #tpu.memory_space<hbm>> -> memref<1x768x768xf32, #tpu.memory_space<hbm>>
    %dma_wait3A_752 = tpu.memref_squeeze %dma_wait3A_751 : memref<1x768x768xf32, #tpu.memory_space<hbm>> -> memref<768x768xf32, #tpu.memory_space<hbm>>
    tpu.wait_dma2 semaphore(%arg21 : memref<!tpu.dma_semaphore, #tpu.memory_space<semaphore_mem>>) src(%arg9 : memref<768x768xf32, #tpu.memory_space<vmem>>) dst(%dma_wait3A_752 : memref<768x768xf32, #tpu.memory_space<hbm>>)
    %get3A_753 = arith.constant 7 : index
    %get3A_754 = memref.load %arg1[%get3A_753] : memref<8xi32, #tpu.memory_space<smem>>
    %dma_wait3A_755 = arith.constant 1536 : i32
    %dma_wait3A_756 = arith.constant 0 : i32
    %dma_wait3A_757 = tpu.memref_slice %arg3[%get3A_754, %dma_wait3A_755, %dma_wait3A_756] : memref<8x3072x768xf32, #tpu.memory_space<hbm>> -> memref<1x768x768xf32, #tpu.memory_space<hbm>>
    %dma_wait3A_758 = tpu.memref_squeeze %dma_wait3A_757 : memref<1x768x768xf32, #tpu.memory_space<hbm>> -> memref<768x768xf32, #tpu.memory_space<hbm>>
    tpu.wait_dma2 semaphore(%arg16 : memref<!tpu.dma_semaphore, #tpu.memory_space<semaphore_mem>>) src(%arg4 : memref<768x768xf32, #tpu.memory_space<vmem>>) dst(%dma_wait3A_758 : memref<768x768xf32, #tpu.memory_space<hbm>>)
    %get3A_759 = arith.constant 7 : index
    %get3A_760 = memref.load %arg1[%get3A_759] : memref<8xi32, #tpu.memory_space<smem>>
    %dma_wait3A_761 = arith.constant 2304 : i32
    %dma_wait3A_762 = arith.constant 0 : i32
    %dma_wait3A_763 = tpu.memref_slice %arg3[%get3A_760, %dma_wait3A_761, %dma_wait3A_762] : memref<8x3072x768xf32, #tpu.memory_space<hbm>> -> memref<1x768x768xf32, #tpu.memory_space<hbm>>
    %dma_wait3A_764 = tpu.memref_squeeze %dma_wait3A_763 : memref<1x768x768xf32, #tpu.memory_space<hbm>> -> memref<768x768xf32, #tpu.memory_space<hbm>>
    tpu.wait_dma2 semaphore(%arg17 : memref<!tpu.dma_semaphore, #tpu.memory_space<semaphore_mem>>) src(%arg5 : memref<768x768xf32, #tpu.memory_space<vmem>>) dst(%dma_wait3A_764 : memref<768x768xf32, #tpu.memory_space<hbm>>)
    return
  }
}

</mosaic_0001>

<sc_bundles>
// kernel: _fetch.4.cloned.1.call-start
scs
__scs_entry_jumppad:
0x0: {  	(pc) =	sbr.rel $0x88, $3  }
0x1: {  	(tag) =	ssettag $0x0;
	lr =	simm.s32 $0x1  }
0x2: {  	[smem:$0x3F9B] =	sst lr;
	_ =	strace $0xD0000000  }
0x3: {  	_ = 	snop  }
0x4: {  	_ = 	snop  }
0x5: {  	_ = 	snop  }
0x6: {  	_ = 	snop  }
0x7: {  	_ = 	snop  }
__scs_overlays_trampoline_lowered:
0x8: {  	[smem:$0x3FAA] =	sst s0  }
0x9: {  	[smem:$0x3FAB] =	sst s1  }
0xa: {  	[smem:$0x3FAC] =	sst s2  }
0xb: {  	[smem:$0x3FAD] =	sst s3  }
0xc: {  	[smem:$0x3FAE] =	sst s4  }
0xd: {  	[smem:$0x3FAF] =	sst s5  }
0xe: {  	[smem:$0x3FB0] =	sst s6  }
0xf: {  	[smem:$0x3FB1] =	sst s7  }
0x10: {  	[smem:$0x3FB2] =	sst s8  }
0x11: {  	[smem:$0x3FB3] =	sst s9;
	s0 =	simm.s32 @!p0 $0x0  }
0x12: {  	s1 =	sld [smem:$0x3F99];
	s0 =	simm.s32 @p0 $0x1  }
0x13: {  	[smem:$0x3FB4] =	sst s0;
	s0 =	simm.s32 @!p1 $0x0  }
0x14: {  	s2 =	sld [smem:$0x3F98];
	s0 =	simm.s32 @p1 $0x1  }
0x15: {  	[smem:$0x3FB5] =	sst s0;
	s0 =	simm.s32 @!p2 $0x0  }
0x16: {  	s3 =	sld [smem:$0x3FDB];
	s0 =	simm.s32 @p2 $0x1  }
0x17: {  	s4 =	simm.s32 $0x1BF5;
	[smem:$0x3FB7] =	sst s0  }
0x18: {  	s0 =	sld [smem:$0x3F9A];
	_ =	swait.ge [sflag:s4], $0x0  }
0x19: {  	s7 =	sld [smem:$0x3F9B]  }
0x1a: {  	s8 =	sadd.s32 $0xFFFFE003, lr  }
0x1b: {  	s9 =	sadd.s32 $0xFFFFFEF7, lr;
	s5 =	simm.s32 $0xFFFFFFFF;
	p2 =	slt.u32 s8, $0xFFFFF086  }
0x1c: {  	p1 =	slt.u32 s9, $0xF7A;
	s5 =	simm.s32 @!p2 $0x0  }
0x1d: {  	s5 =	simm.s32 @p1 $0x1;
	p0 =	seq.s32 s7, s2  }
0x1e: {  	s7 =	smul.u32 @!p0 $0xF7A, s2;
	p2 =	seq.s32 @!p0 s5, $0x0  }
0x1f: {  	s9 =	smul.u32 $0xF7A, s1;
	s8 =	simm.s32 @!p0 $0x1BF5;
	p2 =	por !p2, p0  }
0x20: {  	[sflag:s8] =	ssyncset.s32 @!p0 $0xFFFFF086;
	s6 =	sadd.s32 @!p0 s3, s7;
	s7 =	simm.s32 @!p0 $0x108  }
0x21: {  	s3 =	sadd.s32 s3, s9;
	s6 =	sadd.s32 @!p0 $0x88, s6;
	s7 =	simm.s32 @p2 $0x1082  }
0x22: {  	[simem:s7], [sflag:s8] =	dma.local @!p0 [hbm:s6], $0xF7A  }
0x23: {  	s9 =	sor.u32 $0xD0000000, s2;
	s6 =	simm.s32 $0x108;
	_ =	swait.ge @!p0 [sflag:s8], $0x0  }
0x24: {  	s3 =	sadd.s32 $0x88, s3;
	s6 =	simm.s32 @!p1 $0x1082;
	[sflag:s4] =	ssyncset.s32 $0xFFFFF086  }
0x25: {  	[simem:s6], [sflag:s4] =	dma.local [hbm:s3], $0xF7A  }
0x26: {  	[smem:$0x3F9B] =	sst s1;
	(tag) =	ssettag s2;
	_ =	strace s9  }
0x27: {  	s1 =	sld [smem:$0x3FAB]  }
0x28: {  	s2 =	sld [smem:$0x3FAC]  }
0x29: {  	s4 =	sld [smem:$0x3FAE]  }
0x2a: {  	p0 =	seq.s32 s5, $0x0;
	s5 =	sld [smem:$0x3FAF]  }
0x2b: {  	s6 =	sld [smem:$0x3FB0]  }
0x2c: {  	s7 =	sld [smem:$0x3FB1]  }
0x2d: {  	s3 =	simm.s32 $0x108;
	s8 =	sld [smem:$0x3FB2]  }
0x2e: {  	s3 =	simm.s32 @!p0 $0x1082;
	s9 =	sld [smem:$0x3FB3]  }
0x2f: {  	lr =	sadd.s32 s0, s3;
	s0 =	sld [smem:$0x3FAA]  }
0x30: {  	s3 =	sld [smem:$0x3FAD]  }
0x31: {  	[smem:$0x3FB6] =	sst s10  }
0x32: {  	s10 =	sld [smem:$0x3FB4];
	_ =	sdelay $0x3  }
0x33: {  	p0 =	seq.s32 s10, $0x1;
	s10 =	sld [smem:$0x3FB6];
	_ =	sdelay $0x3  }
0x34: {  	[smem:$0x3FB6] =	sst s10  }
0x35: {  	s10 =	sld [smem:$0x3FB5];
	_ =	sdelay $0x3  }
0x36: {  	p1 =	seq.s32 s10, $0x1;
	s10 =	sld [smem:$0x3FB6];
	_ =	sdelay $0x3  }
0x37: {  	[smem:$0x3FB6] =	sst s10  }
0x38: {  	s10 =	sld [smem:$0x3FB7]  }
0x39: {  	_ = 	snop;
	(pc) =	sbr.ind lr, $3  }
0x3a: {  	_ = 	snop  }
0x3b: {  	_ = 	snop  }
0x3c: {  	p2 =	seq.s32 s10, $0x1;
	s10 =	sld [smem:$0x3FB6]  }
0x3d: {  	_ =	shalt  }
0x3e: {  	_ =	shalt  }
0x3f: {  	_ =	shalt  }
0x40: {  	_ =	shalt  }
0x41: {  	_ =	shalt  }
0x42: {  	_ =	shalt  }
0x43: {  	_ =	shalt  }
0x44: {  	_ =	shalt  }
0x45: {  	_ =	shalt  }
0x46: {  	_ =	shalt  }
0x47: {  	_ =	shalt  }
0x48: {  	_ =	shalt  }
0x49: {  	_ =	shalt  }
0x4a: {  	_ =	shalt  }
0x4b: {  	_ =	shalt  }
0x4c: {  	_ =	shalt  }
0x4d: {  	_ =	shalt  }
0x4e: {  	_ =	shalt  }
0x4f: {  	_ =	shalt  }
0x50: {  	_ =	shalt  }
0x51: {  	_ =	shalt  }
0x52: {  	_ =	shalt  }
0x53: {  	_ =	shalt  }
0x54: {  	_ =	shalt  }
0x55: {  	_ =	shalt  }
0x56: {  	_ =	shalt  }
0x57: {  	_ =	shalt  }
0x58: {  	_ =	shalt  }
0x59: {  	_ =	shalt  }
0x5a: {  	_ =	shalt  }
0x5b: {  	_ =	shalt  }
0x5c: {  	_ =	shalt  }
0x5d: {  	_ =	shalt  }
0x5e: {  	_ =	shalt  }
0x5f: {  	_ =	shalt  }
0x60: {  	_ =	shalt  }
0x61: {  	_ =	shalt  }
0x62: {  	_ =	shalt  }
0x63: {  	_ =	shalt  }
0x64: {  	_ =	shalt  }
0x65: {  	_ =	shalt  }
0x66: {  	_ =	shalt  }
0x67: {  	_ =	shalt  }
0x68: {  	_ =	shalt  }
0x69: {  	_ =	shalt  }
0x6a: {  	_ =	shalt  }
0x6b: {  	_ =	shalt  }
0x6c: {  	_ =	shalt  }
0x6d: {  	_ =	shalt  }
0x6e: {  	_ =	shalt  }
0x6f: {  	_ =	shalt  }
0x70: {  	_ =	shalt  }
0x71: {  	_ =	shalt  }
0x72: {  	_ =	shalt  }
0x73: {  	_ =	shalt  }
0x74: {  	_ =	shalt  }
0x75: {  	_ =	shalt  }
0x76: {  	_ =	shalt  }
0x77: {  	_ =	shalt  }
0x78: {  	_ =	shalt  }
0x79: {  	_ =	shalt  }
0x7a: {  	_ =	shalt  }
0x7b: {  	_ =	shalt  }
0x7c: {  	_ =	shalt  }
0x7d: {  	_ =	shalt  }
0x7e: {  	_ =	shalt  }
0x7f: {  	_ =	shalt  }
0x80: {  	_ =	shalt  }
0x81: {  	_ =	shalt  }
0x82: {  	_ =	shalt  }
0x83: {  	_ =	shalt  }
0x84: {  	_ =	shalt  }
0x85: {  	_ =	shalt  }
0x86: {  	_ =	shalt  }
0x87: {  	_ =	shalt  }
.Lfunc_end0:
.L_simem_size_0:
called_computation_lowered:
.L_overlay_start_0:
0x88: {  	s2 =	sld [smem:$0x3FD9]  }
0x89: {  	s3 =	sld [smem:$0x3FFE];
	_ =	sdelay $0x1  }
0x8a: {  	s1 =	srdreg.scid  }
0x8b: {  	s0 =	sand.u32 $0x1, s1  }
0x8c: {  	s15 =	sshll.u32 s0, $0xA;
	s2 =	sadd.s32 s3, s2  }
0x8d: {  	s2 =	sadd.s32 s2, s15  }
0x8e: {  	[smem:$0x3FC2] =	sst s2  }
0x8f: {  	_ = 	snop  }
0x90: {  	s2 =	sld [smem:$0x3FC8]  }
0x91: {  	s16 =	sld [smem:$0x3FC7]  }
0x92: {  	s4 =	sld [smem:$0x3FD0]  }
0x93: {  	s5 =	sld [smem:$0x3FC6]  }
0x94: {  	s6 =	sld [smem:$0x3FC5]  }
0x95: {  	s8 =	simm.s32 $0xA;
	s9 =	simm.s32 $0x10;
	s7 =	sld [smem:$0x3FC4]  }
0x96: {  	[smem:s9], [sflag:s8] =	dma.local [hbm:s4], $0x1  }
0x97: {  	_ =	swait.eq [sflag:s8], $0x1  }
0x98: {  	s17 =	sld [smem:$0x11];
	[sflag:s8] =	ssyncset.done $0x0  }
0x99: {  	s18 =	sld [smem:$0x12];
	[sflag:s8] =	ssyncadd.s32 $0xFFFFFFFF  }
0x9a: {  	s19 =	sld [smem:$0x13];
	(tm) =	ssettm $0x1  }
0x9b: {  	s10 =	sld [smem:$0x3FFB];
	_ =	sdelay $0x3  }
0x9c: {  	_ =	strace s10  }
0x9d: {  	s10 =	sld [smem:$0x3FFC];
	_ =	sdelay $0x3  }
0x9e: {  	_ =	strace s10  }
0x9f: {  	s10 =	sld [smem:$0x3FFD];
	_ =	sdelay $0x3  }
0xa0: {  	_ =	strace s10  }
0xa1: {  	_ =	strace $0x8FFFFFFF  }
0xa2: {  	s20 =	sld [smem:$0x3FDB];
	_ =	sdelay $0x1  }
0xa3: {  	s11 =	simm.s32 $_scs_section_size  }
0xa4: {  	s12 =	simm.s32 $_size__tile_overlayer_lowered;
	s13 =	simm.s32 $_tile_overlayer_lowered  }
0xa5: {  	s23 =	simm.s32 $0x1BFF;
	s22 =	sshll.u32 s13, $0x1;
	s10 =	sadd.s32 s11, s20  }
0xa6: {  	s14 =	simm.s32 $0x0;
	s21 =	sshll.u32 s12, $0x1;
	s12 =	sadd.s32 s22, s10  }
0xa7: {  	[timem:s14], [sflag:s23] =	dma.local [hbm:s12], s21  }
0xa8: {  	_ =	swait.ge [sflag:s23], s21  }
0xa9: {  	s11 =	ssub.s32 $0x0, s21;
	[sflag:s23] =	ssyncset.done $0x0  }
0xaa: {  	[sflag:s23] =	ssyncadd.s32 s11;
	_ =	sdelay $0x1  }
0xab: {  	s24 =	simm.s32 $0x1B8B  }
0xac: {  	_ =	swait.ge [sflag:s24], $0x1  }
0xad: {  	[sflag:s24] =	ssyncset.done $0x0  }
0xae: {  	s25 =	simm.s32 $0x1B8E;
	[sflag:s24] =	ssyncadd.s32 $0xFFFFFFFF  }
0xaf: {  	s26 =	simm.s32 $execute0_lowered;
	[smem:$0x3FD2] =	sst s25  }
0xb0: {  	s11 =	sshll.u32 s26, $0x1;
	_ =	strace $0x80000046;
	[dreg:$0x1] =	wrdreg $0xFFFFFFFF  }
0xb1: {  	s28 =	simm.s32 $_size_execute0_lowered;
	s10 =	sadd.s32 s10, s11;
	[dreg:$0x0] =	wrdreg $0x0  }
0xb2: {  	s11 =	sshll.u32 s28, $0x1;
	[dreg:$0x2] =	wrdreg s10  }
0xb3: {  	[dreg:$0x3] =	wrdreg s11  }
0xb4: {  	[dreg:$0x4] =	wrdreg $0xC0  }
0xb5: {  	_ =	task [dreg:s14], $0x5FFFF  }
0xb6: {  	[dreg:$0x1] =	wrdreg $0xFFFFFFFF  }
0xb7: {  	[dreg:$0x0] =	wrdreg $0x60  }
0xb8: {  	[dreg:$0x2] =	wrdreg s16  }
0xb9: {  	[dreg:$0x3] =	wrdreg s2  }
0xba: {  	[dreg:$0x4] =	wrdreg s5  }
0xbb: {  	[dreg:$0x5] =	wrdreg s6  }
0xbc: {  	[dreg:$0x6] =	wrdreg s7  }
0xbd: {  	[dreg:$0x7] =	wrdreg s18  }
0xbe: {  	[dreg:$0x8] =	wrdreg s17  }
0xbf: {  	[dreg:$0x9] =	wrdreg s19  }
0xc0: {  	[dreg:$0xa] =	wrdreg $0x9  }
0xc1: {  	_ =	task.clear_ibuf [dreg:s14], $0xBFFFF;
	_ =	strace $0x90000046  }
0xc2: {  	s29 =	simm.s32 $0x9;
	_ =	strace $0x80000048  }
0xc3: {  	_ =	swait.ge [sflag:s29], $0x1  }
0xc4: {  	[sflag:s29] =	ssyncadd.s32 $0xFFFFFFFF  }
0xc5: {  	_ =	strace $0x90000048  }
0xc6: {  	_ =	sfence  }
0xc7: {  	s30 =	sld [smem:$0x0];
	_ =	sdelay $0x2  }
0xc8: {  	s31 =	sshll.u32 s1, $0xD;
	s1 =	sshrl.u32 s1, $0x2  }
0xc9: {  	s3 =	sand.u32 $0x4000, s31;
	s1 =	sadd.s32 s1, s30  }
0xca: {  	s0 =	sor.u32 s3, s0;
	s1 =	sshll.u32 s1, $0x11  }
0xcb: {  	s0 =	sor.u32 s1, s0  }
0xcc: {  	s0 =	sadd.s32 $0x8F2B, s0  }
0xcd: {  	[sflag:s0] =	ssyncadd.remote.s32 $0x1  }
0xce: {  	_ =	sfence.sel $0xFFFF  }
0xcf: {  	[dreg:$0x0] =	wrdreg $0xFFFFFFFF;
	(pc) =	sbr.abs _section_cstart, $3  }
0xd0: {  	[dreg:$0x1] =	wrdreg $0xFFFFFFFF  }
0xd1: {  	_ =	task.clear_ibuf [dreg:s14], $0x2FFFF;
	_ =	strace $0x9FFFFFFF  }
0xd2: {  	(tm) =	ssettm $0x7FFFFFFF  }
0xd3: {  	_ =	shalt  }
tec
execute0_lowered:
.L_overlay_start_1:
0x0: {  	(tag) =	ssettag $0x1  }
0x1: {  	s0 =	srdreg.scid;
	s3 =	stileid.u32;
	s11 =	simm.s32 $0x0  }
0x2: {  	s20 =	simm.s32 $0x5;
	s21 =	simm.s32 $0x8;
	s22 =	simm.s32 $0x80  }
0x3: {  	s23 =	simm.s32 $0x6080;
	s0 =	sand.u32 $0x1, s0;
	s1 =	sshll.u32 s3, $0x1  }
0x4: {  	s24 =	simm.s32 $0x1;
	s28 =	simm.s32 $0x4;
	s9 =	sor.u32 s0, s1  }
0x5: {  	s29 =	simm.s32 $0x0;
	[smem:$0x7FF] =	sst s11;
	s1 =	sand.u32 $0x3, s9  }
0x6: {  	s15 =	sshrl.u32 s3, $0x1;
	s0 =	ssub.s32 $0x2, s0;
	s2 =	smul.u32 $0xC0, s1  }
0x7: {  	p0 =	sgt.u32 s3, $0x3;
	s14 =	sshrl.u32 s0, $0x1;
	s12 =	smul.u32 $0x9000, s1  }
0x8: {  	s0 =	ssub.s32 s0, s14;
	s7 =	sor.u32 $0x10, s2;
	s30 =	sshrl.u32 s2, $0x3  }
0x9: {  	s26 =	sor.u32 $0x20, s2;
	s25 =	sshrl.u32 s7, $0x3;
	s14 =	smul.u32 $0x600, s30  }
0xa: {  	_ =	strace $0x80000047;
	s31 =	sshrl.u32 s26, $0x3;
	s13 =	smul.u32 $0x600, s25  }
0xb: {  	s16 =	smax.u32 s0, $0x1;
	s26 =	simm.s32 $0x2;
	s17 =	smul.u32 $0x600, s31  }
0xc: {  	s25 =	simm.s32 $0x3;
	s18 =	sadd.s32 $0x8400, s14;
	s19 =	sadd.s32 $0x7800, s14  }
.LBB2_1:
0xd: {  	s0 =	rddreg [dreg:$0x3]  }
0xe: {  	[tilespmem:s11], [sflag:$0x5] =	stream.linear.gather [hbm4b:s0+s11], $0x8, $0x38;
	[tilespmem:$0xCC80] =	vst v63  }
0xf: {  	_ =	swait.ge [sflag:s20], $0x8  }
0x10: {  	[sflag:s20] =	ssyncset.done $0x0  }
0x11: {  	[sflag:s20] =	ssyncadd.s32 $0xFFFFFFF8  }
0x12: {  	s6 =	rddreg [dreg:$0x4]  }
0x13: {  	[tilespmem:s21], [sflag:$0x5] =	stream.linear.gather [hbm4b:s6+s11], $0x8, $0x38;
	[tilespmem:$0xCC80] =	vst v63  }
0x14: {  	_ =	swait.ge [sflag:s20], $0x8  }
0x15: {  	[sflag:s20] =	ssyncset.done $0x0  }
0x16: {  	[sflag:s20] =	ssyncadd.s32 $0xFFFFFFF8  }
0x17: {  	v0 =	vld [tilespmem:s15+$0x0]  }
0x18: {  	v1 =	vld [tilespmem:s15+$0x8]  }
0x19: {  	v2 =	vld @!p0 [tilespmem:s9+$0x0];
	_ =	sdelay $0x2  }
0x1a: {  	(v2sf) =	vpush v0, $0x0  }
0x1b: {  	(v2sf) =	vpush v1, $0x0  }
0x1c: {  	(v2sf) =	vpush @!p0 v2, $0x0  }
0x1d: {  	v0 =	vld @!p0 [tilespmem:s9+$0x8];
	_ =	sdelay $0x4  }
0x1e: {  	(v2sf) =	vpush @!p0 v0, $0x0;
	_ =	sdelay $0x6  }
0x1f: {  	s0 =	spop (v2sf)  }
0x20: {  	s1 =	spop (v2sf)  }
0x21: {  	s2 =	spop @!p0 (v2sf)  }
0x22: {  	s7 =	sshrl.u32 @!p0 s2, $0x3  }
0x23: {  	s2 =	sshll.u32 @!p0 s2, $0x7;
	s30 =	smul.u32 @!p0 $0x6000, s7  }
0x24: {  	s2 =	sand.u32 @!p0 $0x380, s2  }
0x25: {  	s4 =	simm.s32 @!p0 $0x400;
	s30 =	sor.u32 @!p0 s2, s30  }
0x26: {  	s5 =	simm.s32 @!p0 $0xC080;
	s3 =	rddreg [dreg:$0x1];
	s30 =	sshrl.u32 @!p0 s30, $0x3  }
0x27: {  	s31 =	spop @!p0 (v2sf);
	s30 =	sadd.s32 @!p0 s3, s30;
	s3 =	simm.s32 @!p0 $0x80  }
0x28: {  	[tilespmem:s5], [sflag:$0x5] =	stream.strided.gather @!p0 [hbm4b:s30+s3], $0xC00, s4, s3, $0x38;
	[tilespmem:$0xCC80] =	vst v63  }
0x29: {  	s8 =	simm.s32 @!p0 $0x5;
	s30 =	sshrl.u32 @!p0 s31, $0x3  }
0x2a: {  	s31 =	sshll.u32 @!p0 s31, $0x7;
	s6 =	smul.u32 @!p0 $0x6000, s30;
	_ =	swait.ge @!p0 [sflag:s8], $0xC00  }
0x2b: {  	s31 =	sand.u32 @!p0 $0x380, s31;
	[sflag:s8] =	ssyncset.done @!p0 $0x0  }
0x2c: {  	s6 =	sor.u32 @!p0 s31, s6;
	[sflag:s8] =	ssyncadd.s32 @!p0 $0xFFFFF400  }
0x2d: {  	s6 =	sshrl.u32 @!p0 s6, $0x3;
	s10 =	rddreg [dreg:$0x6]  }
0x2e: {  	s6 =	sadd.s32 @!p0 s10, s6  }
0x2f: {  	[hbm4b:s6+s3] =	stream.strided.scatter @!p0 [tilespmem:s5], [sflag:$0x5], $0xC00, s4, s3, $0x38;
	[tilespmem:$0xCC80] =	vst v63  }
0x30: {  	s7 =	smul.u32 @!p0 $0x1800, s7;
	_ =	swait.ge @!p0 [sflag:s8], $0xC00  }
0x31: {  	[sflag:s8] =	ssyncset.done @!p0 $0x0  }
0x32: {  	s2 =	sor.u32 @!p0 s2, s7;
	[sflag:s8] =	ssyncadd.s32 @!p0 $0xFFFFF400  }
0x33: {  	s2 =	sshrl.u32 @!p0 s2, $0x3;
	s6 =	rddreg [dreg:$0x2]  }
0x34: {  	s2 =	sadd.s32 @!p0 s6, s2  }
0x35: {  	[tilespmem:s5], [sflag:$0x5] =	stream.strided.gather @!p0 [hbm4b:s2+s3], $0x300, s4, s3, $0x38;
	[tilespmem:$0xCC80] =	vst v63  }
0x36: {  	s6 =	smul.u32 @!p0 $0x1800, s30;
	_ =	swait.ge @!p0 [sflag:s8], $0x300  }
0x37: {  	[sflag:s8] =	ssyncset.done @!p0 $0x0  }
0x38: {  	s2 =	sor.u32 @!p0 s31, s6;
	[sflag:s8] =	ssyncadd.s32 @!p0 $0xFFFFFD00  }
0x39: {  	s2 =	sshrl.u32 @!p0 s2, $0x3;
	s6 =	rddreg [dreg:$0x7]  }
0x3a: {  	s2 =	sadd.s32 @!p0 s6, s2  }
0x3b: {  	[hbm4b:s2+s3] =	stream.strided.scatter @!p0 [tilespmem:s5], [sflag:$0x5], $0x300, s4, s3, $0x38;
	[tilespmem:$0xCC80] =	vst v63  }
0x3c: {  	s0 =	smul.u32 $0x120000, s0;
	_ =	swait.ge @!p0 [sflag:s8], $0x300  }
0x3d: {  	[sflag:s8] =	ssyncset.done @!p0 $0x0  }
0x3e: {  	s0 =	sshrl.u32 s0, $0x3;
	s7 =	rddreg [dreg:$0x0]  }
0x3f: {  	s31 =	sadd.s32 s7, s0  }
0x40: {  	[sflag:s8] =	ssyncadd.s32 @!p0 $0xFFFFFD00;
	s0 =	sadd.s32 s12, s31  }
0x41: {  	[tilespmem:s22], [sflag:$0x1] =	stream.linear.gather [hbm4b:s0+s11], $0x6000, $0x38;
	[tilespmem:$0xCC80] =	vst v63  }
0x42: {  	s8 =	smul.u32 $0x120000, s1;
	s10 =	sadd.s32 s31, s13  }
0x43: {  	[tilespmem:s23], [sflag:$0x2] =	stream.linear.gather [hbm4b:s10+s11], $0x6000, $0x38;
	[tilespmem:$0xCC80] =	vst v63  }
0x44: {  	_ =	swait.ge [sflag:s24], $0x6000  }
0x45: {  	s0 =	sshrl.u32 s8, $0x3;
	s2 =	rddreg [dreg:$0x5]  }
0x46: {  	[sflag:s24] =	ssyncset.done $0x0;
	s30 =	sadd.s32 s2, s0  }
0x47: {  	[sflag:s24] =	ssyncadd.s32 $0xFFFFA000;
	s0 =	sadd.s32 s14, s30  }
0x48: {  	[hbm4b:s0+s11] =	stream.linear.scatter [tilespmem:s22], [sflag:$0x3], $0x6000, $0x38;
	[tilespmem:$0xCC80] =	vst v63  }
0x49: {  	_ =	swait.ge [sflag:s25], $0x6000  }
0x4a: {  	[sflag:s25] =	ssyncset.done $0x0  }
0x4b: {  	s3 =	sadd.s32 s31, s17;
	[sflag:s25] =	ssyncadd.s32 $0xFFFFA000  }
0x4c: {  	[tilespmem:s22], [sflag:$0x1] =	stream.linear.gather [hbm4b:s3+s11], $0x6000, $0x38;
	[tilespmem:$0xCC80] =	vst v63  }
0x4d: {  	_ =	swait.ge [sflag:s26], $0x6000  }
0x4e: {  	[sflag:s26] =	ssyncset.done $0x0  }
0x4f: {  	s4 =	sadd.s32 s13, s30;
	[sflag:s26] =	ssyncadd.s32 $0xFFFFA000  }
0x50: {  	[hbm4b:s4+s11] =	stream.linear.scatter [tilespmem:s23], [sflag:$0x4], $0x6000, $0x38;
	[tilespmem:$0xCC80] =	vst v63  }
0x51: {  	s7 =	sadd.s32 s31, s12;
	_ =	swait.ge [sflag:s28], $0x6000  }
0x52: {  	s5 =	sadd.s32 $0xFFFFA000, s7;
	[sflag:s28] =	ssyncset.done $0x0  }
0x53: {  	s6 =	sadd.s32 $0x8400, s5;
	[sflag:s28] =	ssyncadd.s32 $0xFFFFA000  }
0x54: {  	[tilespmem:s23], [sflag:$0x2] =	stream.linear.gather [hbm4b:s6+s11], $0x6000, $0x38;
	[tilespmem:$0xCC80] =	vst v63  }
0x55: {  	s2 =	sadd.s32 s30, s12;
	_ =	swait.ge [sflag:s24], $0x6000  }
0x56: {  	s8 =	sadd.s32 $0xFFFFA000, s2;
	[sflag:s24] =	ssyncset.done $0x0  }
0x57: {  	s10 =	sadd.s32 $0x7800, s8;
	[sflag:s24] =	ssyncadd.s32 $0xFFFFA000  }
0x58: {  	[hbm4b:s10+s11] =	stream.linear.scatter [tilespmem:s22], [sflag:$0x3], $0x6000, $0x38;
	[tilespmem:$0xCC80] =	vst v63  }
0x59: {  	_ =	swait.ge [sflag:s25], $0x6000  }
0x5a: {  	[sflag:s25] =	ssyncset.done $0x0  }
0x5b: {  	s0 =	sadd.s32 $0x9000, s5;
	[sflag:s25] =	ssyncadd.s32 $0xFFFFA000  }
0x5c: {  	[tilespmem:s22], [sflag:$0x1] =	stream.linear.gather [hbm4b:s0+s11], $0x6000, $0x38;
	[tilespmem:$0xCC80] =	vst v63  }
0x5d: {  	_ =	swait.ge [sflag:s26], $0x6000  }
0x5e: {  	[sflag:s26] =	ssyncset.done $0x0  }
0x5f: {  	s1 =	sadd.s32 $0x8400, s8;
	s0 =	simm.s32 $0xFFFFB800;
	[sflag:s26] =	ssyncadd.s32 $0xFFFFA000  }
.LBB2_2:
0x60: {  	[hbm4b:s1+s11] =	stream.linear.scatter [tilespmem:s23], [sflag:$0x4], $0x6000, $0x38;
	[tilespmem:$0xCC80] =	vst v63  }
0x61: {  	s1 =	smov.u32 s0  }
0x62: {  	p1 =	sne.s32 s0, $0xFFFFE800;
	s0 =	sadd.s32 $0x1800, s0;
	_ =	swait.ge [sflag:s28], $0x6000  }
0x63: {  	s3 =	sadd.s32 s1, s7;
	[sflag:s28] =	ssyncset.done $0x0  }
0x64: {  	s4 =	sadd.s32 $0x8400, s3;
	[sflag:s28] =	ssyncadd.s32 $0xFFFFA000  }
0x65: {  	[tilespmem:s23], [sflag:$0x2] =	stream.linear.gather [hbm4b:s4+s11], $0x6000, $0x38;
	[tilespmem:$0xCC80] =	vst v63  }
0x66: {  	_ =	swait.ge [sflag:s24], $0x6000  }
0x67: {  	s1 =	sadd.s32 s1, s2;
	[sflag:s24] =	ssyncset.done $0x0  }
0x68: {  	s4 =	sadd.s32 $0x7800, s1;
	[sflag:s24] =	ssyncadd.s32 $0xFFFFA000  }
0x69: {  	[hbm4b:s4+s11] =	stream.linear.scatter [tilespmem:s22], [sflag:$0x3], $0x6000, $0x38;
	[tilespmem:$0xCC80] =	vst v63  }
0x6a: {  	_ =	swait.ge [sflag:s25], $0x6000  }
0x6b: {  	[sflag:s25] =	ssyncset.done $0x0  }
.Ltmp0:
0x6c: {  	s3 =	sadd.s32 $0x9000, s3;
	[sflag:s25] =	ssyncadd.s32 $0xFFFFA000;
	(pc) =	sbr.rel @p1 .LBB2_2-.Ltmp0, $4  }
0x6d: {  	[tilespmem:s22], [sflag:$0x1] =	stream.linear.gather [hbm4b:s3+s11], $0x6000, $0x38;
	[tilespmem:$0xCC80] =	vst v63  }
0x6e: {  	_ =	swait.ge [sflag:s26], $0x6000  }
0x6f: {  	[sflag:s26] =	ssyncset.done $0x0  }
0x70: {  	s1 =	sadd.s32 $0x8400, s1;
	[sflag:s26] =	ssyncadd.s32 $0xFFFFA000  }
0x71: {  	[hbm4b:s1+s11] =	stream.linear.scatter [tilespmem:s23], [sflag:$0x4], $0x6000, $0x38;
	[tilespmem:$0xCC80] =	vst v63  }
0x72: {  	_ =	swait.ge [sflag:s28], $0x6000  }
0x73: {  	[sflag:s28] =	ssyncset.done $0x0  }
0x74: {  	s0 =	sadd.s32 s31, s18;
	[sflag:s28] =	ssyncadd.s32 $0xFFFFA000  }
0x75: {  	[tilespmem:s23], [sflag:$0x2] =	stream.linear.gather [hbm4b:s0+s11], $0x6000, $0x38;
	[tilespmem:$0xCC80] =	vst v63  }
0x76: {  	_ =	swait.ge [sflag:s24], $0x6000  }
0x77: {  	[sflag:s24] =	ssyncset.done $0x0  }
0x78: {  	s10 =	sadd.s32 s19, s30;
	[sflag:s24] =	ssyncadd.s32 $0xFFFFA000  }
0x79: {  	[hbm4b:s10+s11] =	stream.linear.scatter [tilespmem:s22], [sflag:$0x3], $0x6000, $0x38;
	[tilespmem:$0xCC80] =	vst v63  }
0x7a: {  	_ =	swait.ge [sflag:s26], $0x6000  }
0x7b: {  	[sflag:s26] =	ssyncset.done $0x0  }
0x7c: {  	s31 =	sadd.s32 s18, s30;
	s29 =	sadd.s32 $0x1, s29;
	[sflag:s26] =	ssyncadd.s32 $0xFFFFA000  }
0x7d: {  	[hbm4b:s31+s11] =	stream.linear.scatter [tilespmem:s23], [sflag:$0x4], $0x6000, $0x38;
	[tilespmem:$0xCC80] =	vst v63  }
0x7e: {  	p1 =	sne.s32 s29, s16;
	_ =	swait.ge [sflag:s25], $0x6000  }
.Ltmp1:
0x7f: {  	[sflag:s25] =	ssyncset.done $0x0;
	(pc) =	sbr.rel @p1 .LBB2_1-.Ltmp1, $4  }
0x80: {  	[sflag:s25] =	ssyncadd.s32 $0xFFFFA000  }
0x81: {  	_ =	swait.ge [sflag:s28], $0x6000  }
0x82: {  	[sflag:s28] =	ssyncset.done $0x0  }
0x83: {  	[sflag:s28] =	ssyncadd.s32 $0xFFFFA000  }
0x84: {  	_ =	sfence.sel $0x180000  }
0x85: {  	[bflag:$0x0] =	sbarrier.arrive $0xFFFF  }
0x86: {  	_ =	strace $0x90000047  }
0x87: {  	s0 =	stileid.u32;
	[bflag:$0x2] =	sbarrier.arrive $0xFFFF  }
0x88: {  	p0 =	sne.s32 s0, $0x0;
	s0 =	rddreg [dreg:$0x8]  }
0x89: {  	s0 =	sadd.s32 @!p0 $0x100000, s0  }
0x8a: {  	[sflag:s0] =	ssyncadd.tile.s32 @!p0 $0x1;
	_ =	shalt  }
.Lfunc_end2:
_tile_overlayer_lowered:
.L_overlay_start_2:
0x8b: {  	(tag) =	ssettag $0x2  }
0x8c: {  	s0 =	rddreg [dreg:$0x0];
	s2 =	stileid.u32  }
0x8d: {  	s1 =	rddreg [dreg:$0x1];
	p0 =	sne.s32 s2, $0x0  }
0x8e: {  	s3 =	rddreg [dreg:$0x2];
	[bflag:$0x3] =	sbarrier.arrive $0xFFFF;
	s2 =	simm.s32 @!p0 $0x1C05  }
0x8f: {  	[timem:s3], [sflag:s2] =	dma.local @!p0 [hbm:s0], s1  }
0x90: {  	s0 =	simm.s32 @!p0 $0x5  }
0x91: {  	_ =	swait.ge @!p0 [sflag:s0], s1  }
0x92: {  	s1 =	ssub.s32 @!p0 $0x0, s1;
	[sflag:s0] =	ssyncset.done @!p0 $0x0  }
0x93: {  	[sflag:s0] =	ssyncadd.s32 @!p0 s1  }
0x94: {  	[bflag:$0x3] =	sbarrier.arrive $0xFFFF  }
0x95: {  	_ =	shalt  }

</sc_bundles>
